<compile_context>
chip_gen: v7x
topology: tpu7x:2x2x1
jax: 0.10.2.dev20260603
libtpu: 0.0.44.dev20260713+nightly
codegen_flags: <defaults>
</compile_context>

<pallas_src>
import functools

import jax
import jax.numpy as jnp
from jax import lax
from jax.experimental import pallas as pl
from jax.experimental.pallas import tpu as pltpu
from jax.experimental.pallas import tpu_sc as plsc

COULOMB_CONSTANT = 14.399645478425668
CUTOFF = 10.0
R_ON = 0.8 * CUTOFF
HALF_PI = 1.5707963267948966
PI = 3.141592653589793
SCALE = PI / (CUTOFF - R_ON)

C0 = 0.25 * COULOMB_CONSTANT
C3 = C0 * (-1.0 / 6.0)
C5 = C0 * (1.0 / 120.0)
C7 = C0 * (-1.0 / 5040.0)

NC = 2
NS = 16
NW = NC * NS
L = 16
CT = 512
CH = 5 * CT


def _sc_coulomb(n, n_pad, e_pad):
    total_ch = e_pad // CH
    ch_q, ch_r = divmod(total_ch, NW)

    mesh = plsc.VectorSubcoreMesh(core_axis_name="c", subcore_axis_name="s")

    @functools.partial(
        pl.kernel,
        out_type=jax.ShapeDtypeStruct((NW * n_pad,), jnp.float32),
        mesh=mesh,
        compiler_params=pltpu.CompilerParams(needs_layout_passes=False),
        scratch_types=[
            pltpu.VMEM((n_pad,), jnp.float32),
            pltpu.VMEM((n_pad,), jnp.float32),
            pltpu.VMEM((2, 2 * CH), jnp.int32),
            pltpu.VMEM((2 * CH,), jnp.float32),
            pltpu.VMEM_SHARED((n,), jnp.float32),
            pltpu.SemaphoreType.DMA,
            pltpu.SemaphoreType.DMA,
            pltpu.SemaphoreType.DMA,
        ],
    )
    def kern(idx2_hbm, length_hbm, charges_hbm, out_hbm,
             table, acc, ibuf, lbuf, shtbl, tsem, sem0, sem1):
        c = lax.axis_index("c")
        s = lax.axis_index("s")
        wid = c * NS + s
        nch_w = ch_q + jnp.where(wid < ch_r, 1, 0)
        start_w = wid * ch_q + jnp.minimum(wid, ch_r)

        def issue(j, half, sem):
            base = (start_w + j) * CH
            off = half * CH
            pltpu.async_copy(idx2_hbm.at[:, pl.ds(base, CH)],
                             ibuf.at[:, pl.ds(off, CH)], sem)
            pltpu.async_copy(length_hbm.at[pl.ds(base, CH)],
                             lbuf.at[pl.ds(off, CH)], sem)

        def drain(half, sem):
            off = half * CH
            pltpu.make_async_copy(idx2_hbm.at[:, pl.ds(0, CH)],
                                  ibuf.at[:, pl.ds(off, CH)], sem).wait()
            pltpu.make_async_copy(length_hbm.at[pl.ds(0, CH)],
                                  lbuf.at[pl.ds(off, CH)], sem).wait()

        def compute(half):
            off = half * CH

            @plsc.parallel_loop(0, CH, L, unroll=8)
            def _(i):
                cidx = ibuf[0, pl.ds(off + i, L)]
                nidx = ibuf[1, pl.ds(off + i, L)]
                d = lbuf[pl.ds(off + i, L)]
                q1 = plsc.load_gather(table, [cidx])
                q2 = plsc.load_gather(table, [nidx])
                x = jnp.clip((d - R_ON) * SCALE, 0.0, PI) - HALF_PI
                x2 = x * x
                sinx_c = x * (C0 + x2 * (C3 + x2 * (C5 + x2 * C7)))
                pair = (C0 - sinx_c) * q1 * q2 / d
                plsc.addupdate_scatter(acc, [cidx], pair)

        issue(0, 0, sem0)

        @pl.when(s == 0)
        def _():
            pltpu.sync_copy(charges_hbm, shtbl)

        zero16 = jnp.zeros((L,), jnp.float32)

        @plsc.parallel_loop(0, n_pad, L, unroll=8)
        def _(i):
            acc[pl.ds(i, L)] = zero16

        plsc.subcore_barrier()
        pltpu.async_copy(shtbl, table.at[pl.ds(0, n)], tsem).wait()

        @pl.loop(0, nch_w, step=2)
        def _(j):
            @pl.when(j + 1 < nch_w)
            def _():
                issue(j + 1, 1, sem1)

            drain(0, sem0)
            compute(0)

            @pl.when(j + 2 < nch_w)
            def _():
                issue(j + 2, 0, sem0)

            @pl.when(j + 1 < nch_w)
            def _():
                drain(1, sem1)
                compute(1)

        pltpu.sync_copy(acc, out_hbm.at[pl.ds(wid * n_pad, n_pad)])

    return kern


def _tc_sum(partials_flat, n, n_pad):
    def body(p_ref, o_ref):
        acc = p_ref[pl.ds(0, n_pad)]
        for w in range(1, NW):
            acc = acc + p_ref[pl.ds(w * n_pad, n_pad)]
        o_ref[...] = acc[:n]

    return pl.pallas_call(
        body,
        out_shape=jax.ShapeDtypeStruct((n,), jnp.float32),
    )(partials_flat)


def kernel(long_edge_index, long_edge_length, atomic_charges):
    n = atomic_charges.shape[0]
    e = long_edge_length.shape[0]

    n_pad = ((n + 1 + 255) // 256) * 256
    e_pad = ((e + CH - 1) // CH) * CH

    length = long_edge_length.astype(jnp.float32)
    idx2 = long_edge_index.astype(jnp.int32)
    charges = atomic_charges.astype(jnp.float32)
    if e_pad != e:
        idx2 = jnp.pad(idx2, ((0, 0), (0, e_pad - e)), constant_values=n)
        length = jnp.pad(length, (0, e_pad - e), constant_values=1.0)
        charges = jnp.pad(charges, (0, n_pad - n))
    partials = _sc_coulomb(charges.shape[0], n_pad, e_pad)(
        idx2, length, charges)
    return _tc_sum(partials, n, n_pad)

# --- scband reference (transcript-rebuilt; emitter-appended) ---
"""Pipeline reference for scband-coulomb-with-cutoff-54443005444469 (READ-ONLY COPY).

The authoritative reference and input builder live on the scoring server;
editing this copy changes nothing except your own understanding.
"""

import jax, jax.numpy as jnp
import numpy as np

COULOMB_CONSTANT = 14.399645478425668  # 1/(4*pi*eps0) in eV*Angstrom/e^2 (default eV/Angstrom units)
CUTOFF = 10.0

N_NODES = 50000
N_EDGES = 1600000


def flat_envelope(d, cutoff=CUTOFF):
    # 'flat' cutoff: exactly 1 in the interior, smooth cosine switch over the
    # last 20% of the cutoff radius, 0 beyond the cutoff.
    r_on = 0.8 * cutoff
    t = jnp.clip((d - r_on) / (cutoff - r_on), 0.0, 1.0)
    return 0.5 * (jnp.cos(jnp.pi * t) + 1.0)


def setup_inputs(seed: int = 0) -> dict:
    key = jax.random.key(seed)
    k1, k2, k3 = jax.random.split(key, 3)
    long_edge_index = jax.random.randint(k1, (2, N_EDGES), 0, N_NODES)
    # physical-ish distances in (0.5, 12.0) Angstrom: avoids 1/r blowup and
    # exercises both the flat region and the cutoff tail
    long_edge_length = jax.random.uniform(k2, (N_EDGES,), dtype=jnp.float32, minval=0.5, maxval=12.0)
    atomic_charges = jax.random.normal(k3, (N_NODES,), dtype=jnp.float32)
    return {
        'long_edge_index': long_edge_index,
        'long_edge_length': long_edge_length,
        'atomic_charges': atomic_charges,
    }


def reference(long_edge_index, long_edge_length, atomic_charges):
    center_idx = long_edge_index[0]
    neighbor_idx = long_edge_index[1]
    q1 = jnp.take(atomic_charges, center_idx, axis=0)
    q2 = jnp.take(atomic_charges, neighbor_idx, axis=0)
    envelope = flat_envelope(long_edge_length)
    pair_energies = 0.5 * envelope * COULOMB_CONSTANT * q1 * q2 / long_edge_length
    # data has no ATOMIC_ENERGIES entry -> start from zeros_like(atomic_charges)
    atomic_energies = jnp.zeros_like(atomic_charges).at[center_idx].add(pair_energies)
    return atomic_energies

if __name__ == "__main__":
    import jax
    _d = setup_inputs()
    print(jax.jit(kernel)(*tuple(_d.values())))

</pallas_src>

<mosaic_0001>
#map = affine_map<(d0, d1) -> (0, 0)>
#map1 = affine_map<(d0, d1) -> (0)>
module attributes {stable_mosaic.version = 14 : i64} {
  func.func @kern(%arg0: i32, %arg1: i32, %arg2: memref<2x1600000xi32, #tpu.memory_space<hbm>>, %arg3: memref<1600000xf32, #tpu.memory_space<hbm>>, %arg4: memref<50000xf32, #tpu.memory_space<hbm>>, %arg5: memref<1605632xf32, #tpu.memory_space<hbm>>, %arg6: memref<50176xf32, #tpu.memory_space<vmem>>, %arg7: memref<50176xf32, #tpu.memory_space<vmem>>, %arg8: memref<2x5120xi32, #tpu.memory_space<vmem>>, %arg9: memref<5120xf32, #tpu.memory_space<vmem>>, %arg10: memref<50000xf32, #tpu.memory_space<vmem_shared>>, %arg11: memref<!tpu.dma_semaphore, #tpu.memory_space<semaphore_mem>>, %arg12: memref<!tpu.dma_semaphore, #tpu.memory_space<semaphore_mem>>, %arg13: memref<!tpu.dma_semaphore, #tpu.memory_space<semaphore_mem>>) attributes {dimension_semantics = [#tpu.dimension_semantics<core_parallel>, #tpu.dimension_semantics<subcore_parallel>], iteration_bounds = array<i64: 2, 16>, scalar_prefetch = 0 : i64, scratch_operands = 8 : i64, tpu.core_type = #tpu.core_type<sc_vector_subcore>, window_params = [{transform_indices = #map}, {transform_indices = #map1}, {transform_indices = #map1}, {transform_indices = #map1}]} {
    %mul3A = arith.constant 16 : i32
    %mul3A_0 = arith.muli %arg0, %mul3A : i32
    %add3A = arith.addi %mul3A_0, %arg1 : i32
    %lt3A = arith.constant 17 : i32
    %lt3A_1 = arith.cmpi slt, %add3A, %lt3A : i32
    %jit3A = arith.constant 1 : i32
    %jit3A_2 = arith.constant 0 : i32
    %select_n3A = arith.select %lt3A_1, %jit3A, %jit3A_2 : i32
    %add3A_3 = arith.constant 19 : i32
    %add3A_4 = arith.addi %add3A_3, %select_n3A : i32
    %mul3A_5 = arith.constant 19 : i32
    %mul3A_6 = arith.muli %add3A, %mul3A_5 : i32
    %min3A = arith.constant 17 : i32
    %min3A_7 = arith.minsi %add3A, %min3A : i32
    %add3A_8 = arith.addi %mul3A_6, %min3A_7 : i32
    %add3A_9 = arith.constant 0 : i32
    %add3A_10 = arith.addi %add3A_8, %add3A_9 : i32
    %mul3A_11 = arith.constant 2560 : i32
    %mul3A_12 = arith.muli %add3A_10, %mul3A_11 : i32
    %dma_start3A = arith.constant 0 : i32
    %dma_start3A_13 = arith.constant 0 : i32
    %dma_start3A_14 = tpu.memref_slice %arg8[%dma_start3A, %dma_start3A_13] : memref<2x5120xi32, #tpu.memory_space<vmem>> -> memref<2x2560xi32, #tpu.memory_space<vmem>>
    %dma_start3A_15 = arith.constant 0 : i32
    %dma_start3A_16 = tpu.memref_slice %arg2[%dma_start3A_15, %mul3A_12] : memref<2x1600000xi32, #tpu.memory_space<hbm>> -> memref<2x2560xi32, #tpu.memory_space<hbm>>
    %dma_start3A_17 = arith.constant 0 : i32
    %dma_start3A_18 = arith.constant 0 : i32
    %dma_start3A_19 = tpu.memref_slice %arg8[%dma_start3A_17, %dma_start3A_18] : memref<2x5120xi32, #tpu.memory_space<vmem>> -> memref<2x2560xi32, #tpu.memory_space<vmem>>
    %dma_start3A_20 = arith.constant 0 : i32
    %dma_start3A_21 = tpu.memref_slice %arg2[%dma_start3A_20, %mul3A_12] : memref<2x1600000xi32, #tpu.memory_space<hbm>> -> memref<2x2560xi32, #tpu.memory_space<hbm>>
    tpu.enqueue_dma source(%dma_start3A_21 : memref<2x2560xi32, #tpu.memory_space<hbm>>) target(%dma_start3A_19 : memref<2x2560xi32, #tpu.memory_space<vmem>>) target_semaphore(%arg12 : memref<!tpu.dma_semaphore, #tpu.memory_space<semaphore_mem>>)
    %dma_start3A_22 = arith.constant 0 : i32
    %dma_start3A_23 = tpu.memref_slice %arg9[%dma_start3A_22] : memref<5120xf32, #tpu.memory_space<vmem>> -> memref<2560xf32, #tpu.memory_space<vmem>>
    %dma_start3A_24 = tpu.memref_slice %arg3[%mul3A_12] : memref<1600000xf32, #tpu.memory_space<hbm>> -> memref<2560xf32, #tpu.memory_space<hbm>>
    %dma_start3A_25 = arith.constant 0 : i32
    %dma_start3A_26 = tpu.memref_slice %arg9[%dma_start3A_25] : memref<5120xf32, #tpu.memory_space<vmem>> -> memref<2560xf32, #tpu.memory_space<vmem>>
    %dma_start3A_27 = tpu.memref_slice %arg3[%mul3A_12] : memref<1600000xf32, #tpu.memory_space<hbm>> -> memref<2560xf32, #tpu.memory_space<hbm>>
    tpu.enqueue_dma source(%dma_start3A_27 : memref<2560xf32, #tpu.memory_space<hbm>>) target(%dma_start3A_26 : memref<2560xf32, #tpu.memory_space<vmem>>) target_semaphore(%arg12 : memref<!tpu.dma_semaphore, #tpu.memory_space<semaphore_mem>>)
    %eq3A = arith.constant 0 : i32
    %eq3A_28 = arith.cmpi eq, %arg1, %eq3A : i32
    %convert_element_type3A = arith.extui %eq3A_28 : i1 to i32
    %cond3A = arith.constant 0 : i32
    %cond3A_29 = arith.cmpi ne, %convert_element_type3A, %cond3A : i32
    scf.if %cond3A_29 {
      "tpu.region"() ({
        %run_scoped3A = tpu.sem_alloc : memref<!tpu.dma_semaphore, #tpu.memory_space<semaphore_mem>>
        tpu.enqueue_dma source(%arg4 : memref<50000xf32, #tpu.memory_space<hbm>>) target(%arg10 : memref<50000xf32, #tpu.memory_space<vmem_shared>>) target_semaphore(%run_scoped3A : memref<!tpu.dma_semaphore, #tpu.memory_space<semaphore_mem>>)
        tpu.wait_dma2 semaphore(%run_scoped3A : memref<!tpu.dma_semaphore, #tpu.memory_space<semaphore_mem>>) src(%arg4 : memref<50000xf32, #tpu.memory_space<hbm>>) dst(%arg10 : memref<50000xf32, #tpu.memory_space<vmem_shared>>)
        tpu.yield
      }) : () -> ()
    } else {
    }
    %broadcast_in_dim3A = arith.constant 0.000000e+00 : f32
    %broadcast_in_dim3A_30 = vector.broadcast %broadcast_in_dim3A : f32 to vector<16xf32>
    %parallel_loop3A = arith.constant 0 : i32
    %parallel_loop3A_31 = arith.constant 50176 : i32
    %parallel_loop3A_32 = arith.constant 16 : i32
    scf.for %parallel_loop3A_58 = %parallel_loop3A to %parallel_loop3A_31 step %parallel_loop3A_32  : i32 {
      %parallel_loop3A_59 = arith.index_cast %parallel_loop3A_58 : i32 to index
      %parallel_loop3A_60 = tpu.vector_load %arg7[%parallel_loop3A_59] {strides = array<i32>} : memref<50176xf32, #tpu.memory_space<vmem>>, vector<16xf32>,
      tpu.vector_store %arg7[%parallel_loop3A_59], %broadcast_in_dim3A_30 {strides = array<i32>} : memref<50176xf32, #tpu.memory_space<vmem>>, vector<16xf32>,
    } {sc.loop_unroll_factor = 8 : i64, sc.parallel_access}
    %barrier3A = arith.constant 0 : index
    tpu.barrier barrier_id(%barrier3A)
    %dma_start3A_33 = arith.constant 0 : i32
    %dma_start3A_34 = tpu.memref_slice %arg6[%dma_start3A_33] : memref<50176xf32, #tpu.memory_space<vmem>> -> memref<50000xf32, #tpu.memory_space<vmem>>
    %dma_start3A_35 = arith.constant 0 : i32
    %dma_start3A_36 = tpu.memref_slice %arg6[%dma_start3A_35] : memref<50176xf32, #tpu.memory_space<vmem>> -> memref<50000xf32, #tpu.memory_space<vmem>>
    tpu.enqueue_dma source(%arg10 : memref<50000xf32, #tpu.memory_space<vmem_shared>>) target(%dma_start3A_36 : memref<50000xf32, #tpu.memory_space<vmem>>) target_semaphore(%arg11 : memref<!tpu.dma_semaphore, #tpu.memory_space<semaphore_mem>>)
    %dma_wait3A = arith.constant 0 : i32
    %dma_wait3A_37 = tpu.memref_slice %arg6[%dma_wait3A] : memref<50176xf32, #tpu.memory_space<vmem>> -> memref<50000xf32, #tpu.memory_space<vmem>>
    %dma_wait3A_38 = arith.constant 0 : i32
    %dma_wait3A_39 = tpu.memref_slice %arg6[%dma_wait3A_38] : memref<50176xf32, #tpu.memory_space<vmem>> -> memref<50000xf32, #tpu.memory_space<vmem>>
    tpu.wait_dma2 semaphore(%arg11 : memref<!tpu.dma_semaphore, #tpu.memory_space<semaphore_mem>>) src(%arg10 : memref<50000xf32, #tpu.memory_space<vmem_shared>>) dst(%dma_wait3A_39 : memref<50000xf32, #tpu.memory_space<vmem>>)
    %sub3A = arith.constant 0 : i32
    %sub3A_40 = arith.subi %add3A_4, %sub3A : i32
    %sub3A_41 = arith.constant 2 : i32
    %sub3A_42 = arith.constant 1 : i32
    %sub3A_43 = arith.subi %sub3A_41, %sub3A_42 : i32
    %add3A_44 = arith.addi %sub3A_40, %sub3A_43 : i32
    %div3A = arith.constant 2 : i32
    %div3A_45 = arith.divsi %add3A_44, %div3A : i32
    %while3A = arith.constant 2 : i32
    %while3A_46 = arith.constant 0 : i32
    %while3A_47 = arith.constant 0 : i32
    %while3A_48 = arith.subi %div3A_45, %while3A_47 : i32
    %while3A_49 = arith.addi %while3A_47, %while3A_48 : i32
    %while3A_50 = arith.constant 1 : i32
    %while3A_51 = arith.divsi %while3A_48, %while3A_50 : i32
    %while3A_52 = arith.muli %while3A_51, %while3A_50 : i32
    %while3A_53 = arith.addi %while3A_47, %while3A_52 : i32
    %while3A_54 = arith.constant 1 : i32
    scf.for %while3A_58 = %while3A_47 to %while3A_53 step %while3A_54  : i32 {
      %mul3A_59 = arith.muli %while3A_58, %while3A : i32
      %add3A_60 = arith.addi %while3A_46, %mul3A_59 : i32
      %add3A_61 = arith.constant 1 : i32
      %add3A_62 = arith.addi %add3A_60, %add3A_61 : i32
      %lt3A_63 = arith.cmpi slt, %add3A_62, %add3A_4 : i32
      %convert_element_type3A_64 = arith.extui %lt3A_63 : i1 to i32
      %cond3A_65 = arith.constant 0 : i32
      %cond3A_66 = arith.cmpi ne, %convert_element_type3A_64, %cond3A_65 : i32
      scf.if %cond3A_66 {
        %add3A_102 = arith.constant 1 : i32
        %add3A_103 = arith.addi %add3A_60, %add3A_102 : i32
        %add3A_104 = arith.addi %add3A_8, %add3A_103 : i32
        %mul3A_105 = arith.constant 2560 : i32
        %mul3A_106 = arith.muli %add3A_104, %mul3A_105 : i32
        %dma_start3A_107 = arith.constant 0 : i32
        %dma_start3A_108 = arith.constant 2560 : i32
        %dma_start3A_109 = tpu.memref_slice %arg8[%dma_start3A_107, %dma_start3A_108] : memref<2x5120xi32, #tpu.memory_space<vmem>> -> memref<2x2560xi32, #tpu.memory_space<vmem>>
        %dma_start3A_110 = arith.constant 0 : i32
        %dma_start3A_111 = tpu.memref_slice %arg2[%dma_start3A_110, %mul3A_106] : memref<2x1600000xi32, #tpu.memory_space<hbm>> -> memref<2x2560xi32, #tpu.memory_space<hbm>>
        %dma_start3A_112 = arith.constant 0 : i32
        %dma_start3A_113 = arith.constant 2560 : i32
        %dma_start3A_114 = tpu.memref_slice %arg8[%dma_start3A_112, %dma_start3A_113] : memref<2x5120xi32, #tpu.memory_space<vmem>> -> memref<2x2560xi32, #tpu.memory_space<vmem>>
        %dma_start3A_115 = arith.constant 0 : i32
        %dma_start3A_116 = tpu.memref_slice %arg2[%dma_start3A_115, %mul3A_106] : memref<2x1600000xi32, #tpu.memory_space<hbm>> -> memref<2x2560xi32, #tpu.memory_space<hbm>>
        tpu.enqueue_dma source(%dma_start3A_116 : memref<2x2560xi32, #tpu.memory_space<hbm>>) target(%dma_start3A_114 : memref<2x2560xi32, #tpu.memory_space<vmem>>) target_semaphore(%arg13 : memref<!tpu.dma_semaphore, #tpu.memory_space<semaphore_mem>>)
        %dma_start3A_117 = arith.constant 2560 : i32
        %dma_start3A_118 = tpu.memref_slice %arg9[%dma_start3A_117] : memref<5120xf32, #tpu.memory_space<vmem>> -> memref<2560xf32, #tpu.memory_space<vmem>>
        %dma_start3A_119 = tpu.memref_slice %arg3[%mul3A_106] : memref<1600000xf32, #tpu.memory_space<hbm>> -> memref<2560xf32, #tpu.memory_space<hbm>>
        %dma_start3A_120 = arith.constant 2560 : i32
        %dma_start3A_121 = tpu.memref_slice %arg9[%dma_start3A_120] : memref<5120xf32, #tpu.memory_space<vmem>> -> memref<2560xf32, #tpu.memory_space<vmem>>
        %dma_start3A_122 = tpu.memref_slice %arg3[%mul3A_106] : memref<1600000xf32, #tpu.memory_space<hbm>> -> memref<2560xf32, #tpu.memory_space<hbm>>
        tpu.enqueue_dma source(%dma_start3A_122 : memref<2560xf32, #tpu.memory_space<hbm>>) target(%dma_start3A_121 : memref<2560xf32, #tpu.memory_space<vmem>>) target_semaphore(%arg13 : memref<!tpu.dma_semaphore, #tpu.memory_space<semaphore_mem>>)
      } else {
      }
      %dma_wait3A_67 = arith.constant 0 : i32
      %dma_wait3A_68 = arith.constant 0 : i32
      %dma_wait3A_69 = tpu.memref_slice %arg8[%dma_wait3A_67, %dma_wait3A_68] : memref<2x5120xi32, #tpu.memory_space<vmem>> -> memref<2x2560xi32, #tpu.memory_space<vmem>>
      %dma_wait3A_70 = arith.constant 0 : i32
      %dma_wait3A_71 = arith.constant 0 : i32
      %dma_wait3A_72 = tpu.memref_slice %arg2[%dma_wait3A_70, %dma_wait3A_71] : memref<2x1600000xi32, #tpu.memory_space<hbm>> -> memref<2x2560xi32, #tpu.memory_space<hbm>>
      %dma_wait3A_73 = arith.constant 0 : i32
      %dma_wait3A_74 = arith.constant 0 : i32
      %dma_wait3A_75 = tpu.memref_slice %arg8[%dma_wait3A_73, %dma_wait3A_74] : memref<2x5120xi32, #tpu.memory_space<vmem>> -> memref<2x2560xi32, #tpu.memory_space<vmem>>
      %dma_wait3A_76 = arith.constant 0 : i32
      %dma_wait3A_77 = arith.constant 0 : i32
      %dma_wait3A_78 = tpu.memref_slice %arg2[%dma_wait3A_76, %dma_wait3A_77] : memref<2x1600000xi32, #tpu.memory_space<hbm>> -> memref<2x2560xi32, #tpu.memory_space<hbm>>
      tpu.wait_dma2 semaphore(%arg12 : memref<!tpu.dma_semaphore, #tpu.memory_space<semaphore_mem>>) src(%dma_wait3A_78 : memref<2x2560xi32, #tpu.memory_space<hbm>>) dst(%dma_wait3A_75 : memref<2x2560xi32, #tpu.memory_space<vmem>>)
      %dma_wait3A_79 = arith.constant 0 : i32
      %dma_wait3A_80 = tpu.memref_slice %arg9[%dma_wait3A_79] : memref<5120xf32, #tpu.memory_space<vmem>> -> memref<2560xf32, #tpu.memory_space<vmem>>
      %dma_wait3A_81 = arith.constant 0 : i32
      %dma_wait3A_82 = tpu.memref_slice %arg3[%dma_wait3A_81] : memref<1600000xf32, #tpu.memory_space<hbm>> -> memref<2560xf32, #tpu.memory_space<hbm>>
      %dma_wait3A_83 = arith.constant 0 : i32
      %dma_wait3A_84 = tpu.memref_slice %arg9[%dma_wait3A_83] : memref<5120xf32, #tpu.memory_space<vmem>> -> memref<2560xf32, #tpu.memory_space<vmem>>
      %dma_wait3A_85 = arith.constant 0 : i32
      %dma_wait3A_86 = tpu.memref_slice %arg3[%dma_wait3A_85] : memref<1600000xf32, #tpu.memory_space<hbm>> -> memref<2560xf32, #tpu.memory_space<hbm>>
      tpu.wait_dma2 semaphore(%arg12 : memref<!tpu.dma_semaphore, #tpu.memory_space<semaphore_mem>>) src(%dma_wait3A_86 : memref<2560xf32, #tpu.memory_space<hbm>>) dst(%dma_wait3A_84 : memref<2560xf32, #tpu.memory_space<vmem>>)
      %parallel_loop3A_87 = arith.constant 0 : i32
      %parallel_loop3A_88 = arith.constant 2560 : i32
      %parallel_loop3A_89 = arith.constant 16 : i32
      scf.for %parallel_loop3A_102 = %parallel_loop3A_87 to %parallel_loop3A_88 step %parallel_loop3A_89  : i32 {
        %parallel_loop3A_103 = arith.constant 0 : i32
        %parallel_loop3A_104 = arith.addi %parallel_loop3A_103, %parallel_loop3A_102 : i32
        %parallel_loop3A_105 = arith.constant 0 : i32
        %parallel_loop3A_106 = arith.index_cast %parallel_loop3A_105 : i32 to index
        %parallel_loop3A_107 = arith.index_cast %parallel_loop3A_104 : i32 to index
        %parallel_loop3A_108 = tpu.vector_load %arg8[%parallel_loop3A_106, %parallel_loop3A_107] {strides = array<i32>} : memref<2x5120xi32, #tpu.memory_space<vmem>>, vector<16xi32>,
        %parallel_loop3A_109 = arith.constant 0 : i32
        %parallel_loop3A_110 = arith.addi %parallel_loop3A_109, %parallel_loop3A_102 : i32
        %parallel_loop3A_111 = arith.constant 1 : i32
        %parallel_loop3A_112 = arith.index_cast %parallel_loop3A_111 : i32 to index
        %parallel_loop3A_113 = arith.index_cast %parallel_loop3A_110 : i32 to index
        %parallel_loop3A_114 = tpu.vector_load %arg8[%parallel_loop3A_112, %parallel_loop3A_113] {strides = array<i32>} : memref<2x5120xi32, #tpu.memory_space<vmem>>, vector<16xi32>,
        %parallel_loop3A_115 = arith.constant 0 : i32
        %parallel_loop3A_116 = arith.addi %parallel_loop3A_115, %parallel_loop3A_102 : i32
        %parallel_loop3A_117 = arith.index_cast %parallel_loop3A_116 : i32 to index
        %parallel_loop3A_118 = tpu.vector_load %arg9[%parallel_loop3A_117] {strides = array<i32>} : memref<5120xf32, #tpu.memory_space<vmem>>, vector<16xf32>,
        %parallel_loop3A_119 = tpu.vector_load_idx %arg6[%parallel_loop3A_108] : memref<50176xf32, #tpu.memory_space<vmem>>[vector<16xi32>], vector<16xf32>,
        %parallel_loop3A_120 = tpu.vector_load_idx %arg6[%parallel_loop3A_114] : memref<50176xf32, #tpu.memory_space<vmem>>[vector<16xi32>], vector<16xf32>,
        %parallel_loop3A_121 = arith.constant 8.000000e+00 : f32
        %parallel_loop3A_122 = vector.broadcast %parallel_loop3A_121 : f32 to vector<16xf32>
        %parallel_loop3A_123 = arith.subf %parallel_loop3A_118, %parallel_loop3A_122 : vector<16xf32>
        %parallel_loop3A_124 = arith.constant 1.57079637 : f32
        %parallel_loop3A_125 = vector.broadcast %parallel_loop3A_124 : f32 to vector<16xf32>
        %parallel_loop3A_126 = arith.mulf %parallel_loop3A_123, %parallel_loop3A_125 : vector<16xf32>
        %parallel_loop3A_127 = arith.constant 0.000000e+00 : f32
        %parallel_loop3A_128 = arith.constant 3.14159274 : f32
        %parallel_loop3A_129 = vector.broadcast %parallel_loop3A_127 : f32 to vector<16xf32>
        %parallel_loop3A_130 = arith.maximumf %parallel_loop3A_129, %parallel_loop3A_126 : vector<16xf32>
        %parallel_loop3A_131 = vector.broadcast %parallel_loop3A_128 : f32 to vector<16xf32>
        %parallel_loop3A_132 = arith.minimumf %parallel_loop3A_131, %parallel_loop3A_130 : vector<16xf32>
        %parallel_loop3A_133 = arith.constant 1.57079637 : f32
        %parallel_loop3A_134 = vector.broadcast %parallel_loop3A_133 : f32 to vector<16xf32>
        %parallel_loop3A_135 = arith.subf %parallel_loop3A_132, %parallel_loop3A_134 : vector<16xf32>
        %parallel_loop3A_136 = arith.mulf %parallel_loop3A_135, %parallel_loop3A_135 : vector<16xf32>
        %parallel_loop3A_137 = arith.constant -7.14268128E-4 : f32
        %parallel_loop3A_138 = vector.broadcast %parallel_loop3A_137 : f32 to vector<16xf32>
        %parallel_loop3A_139 = arith.mulf %parallel_loop3A_136, %parallel_loop3A_138 : vector<16xf32>
        %parallel_loop3A_140 = arith.constant 0.0299992617 : f32
        %parallel_loop3A_141 = vector.broadcast %parallel_loop3A_140 : f32 to vector<16xf32>
        %parallel_loop3A_142 = arith.addf %parallel_loop3A_141, %parallel_loop3A_139 : vector<16xf32>
        %parallel_loop3A_143 = arith.mulf %parallel_loop3A_136, %parallel_loop3A_142 : vector<16xf32>
        %parallel_loop3A_144 = arith.constant -0.599985242 : f32
        %parallel_loop3A_145 = vector.broadcast %parallel_loop3A_144 : f32 to vector<16xf32>
        %parallel_loop3A_146 = arith.addf %parallel_loop3A_145, %parallel_loop3A_143 : vector<16xf32>
        %parallel_loop3A_147 = arith.mulf %parallel_loop3A_136, %parallel_loop3A_146 : vector<16xf32>
        %parallel_loop3A_148 = arith.constant 3.59991145 : f32
        %parallel_loop3A_149 = vector.broadcast %parallel_loop3A_148 : f32 to vector<16xf32>
        %parallel_loop3A_150 = arith.addf %parallel_loop3A_149, %parallel_loop3A_147 : vector<16xf32>
        %parallel_loop3A_151 = arith.mulf %parallel_loop3A_135, %parallel_loop3A_150 : vector<16xf32>
        %parallel_loop3A_152 = arith.constant 3.59991145 : f32
        %parallel_loop3A_153 = vector.broadcast %parallel_loop3A_152 : f32 to vector<16xf32>
        %parallel_loop3A_154 = arith.subf %parallel_loop3A_153, %parallel_loop3A_151 : vector<16xf32>
        %parallel_loop3A_155 = arith.mulf %parallel_loop3A_154, %parallel_loop3A_119 : vector<16xf32>
        %parallel_loop3A_156 = arith.mulf %parallel_loop3A_155, %parallel_loop3A_120 : vector<16xf32>
        %parallel_loop3A_157 = arith.divf %parallel_loop3A_156, %parallel_loop3A_118 : vector<16xf32>
        tpu.vector_store_idx %arg7[%parallel_loop3A_108], %parallel_loop3A_157 {add = true} : memref<50176xf32, #tpu.memory_space<vmem>>[vector<16xi32>], vector<16xf32>,
      } {sc.loop_unroll_factor = 8 : i64, sc.parallel_access}
      %add3A_90 = arith.constant 2 : i32
      %add3A_91 = arith.addi %add3A_60, %add3A_90 : i32
      %lt3A_92 = arith.cmpi slt, %add3A_91, %add3A_4 : i32
      %convert_element_type3A_93 = arith.extui %lt3A_92 : i1 to i32
      %cond3A_94 = arith.constant 0 : i32
      %cond3A_95 = arith.cmpi ne, %convert_element_type3A_93, %cond3A_94 : i32
      scf.if %cond3A_95 {
        %add3A_102 = arith.constant 2 : i32
        %add3A_103 = arith.addi %add3A_60, %add3A_102 : i32
        %add3A_104 = arith.addi %add3A_8, %add3A_103 : i32
        %mul3A_105 = arith.constant 2560 : i32
        %mul3A_106 = arith.muli %add3A_104, %mul3A_105 : i32
        %dma_start3A_107 = arith.constant 0 : i32
        %dma_start3A_108 = arith.constant 0 : i32
        %dma_start3A_109 = tpu.memref_slice %arg8[%dma_start3A_107, %dma_start3A_108] : memref<2x5120xi32, #tpu.memory_space<vmem>> -> memref<2x2560xi32, #tpu.memory_space<vmem>>
        %dma_start3A_110 = arith.constant 0 : i32
        %dma_start3A_111 = tpu.memref_slice %arg2[%dma_start3A_110, %mul3A_106] : memref<2x1600000xi32, #tpu.memory_space<hbm>> -> memref<2x2560xi32, #tpu.memory_space<hbm>>
        %dma_start3A_112 = arith.constant 0 : i32
        %dma_start3A_113 = arith.constant 0 : i32
        %dma_start3A_114 = tpu.memref_slice %arg8[%dma_start3A_112, %dma_start3A_113] : memref<2x5120xi32, #tpu.memory_space<vmem>> -> memref<2x2560xi32, #tpu.memory_space<vmem>>
        %dma_start3A_115 = arith.constant 0 : i32
        %dma_start3A_116 = tpu.memref_slice %arg2[%dma_start3A_115, %mul3A_106] : memref<2x1600000xi32, #tpu.memory_space<hbm>> -> memref<2x2560xi32, #tpu.memory_space<hbm>>
        tpu.enqueue_dma source(%dma_start3A_116 : memref<2x2560xi32, #tpu.memory_space<hbm>>) target(%dma_start3A_114 : memref<2x2560xi32, #tpu.memory_space<vmem>>) target_semaphore(%arg12 : memref<!tpu.dma_semaphore, #tpu.memory_space<semaphore_mem>>)
        %dma_start3A_117 = arith.constant 0 : i32
        %dma_start3A_118 = tpu.memref_slice %arg9[%dma_start3A_117] : memref<5120xf32, #tpu.memory_space<vmem>> -> memref<2560xf32, #tpu.memory_space<vmem>>
        %dma_start3A_119 = tpu.memref_slice %arg3[%mul3A_106] : memref<1600000xf32, #tpu.memory_space<hbm>> -> memref<2560xf32, #tpu.memory_space<hbm>>
        %dma_start3A_120 = arith.constant 0 : i32
        %dma_start3A_121 = tpu.memref_slice %arg9[%dma_start3A_120] : memref<5120xf32, #tpu.memory_space<vmem>> -> memref<2560xf32, #tpu.memory_space<vmem>>
        %dma_start3A_122 = tpu.memref_slice %arg3[%mul3A_106] : memref<1600000xf32, #tpu.memory_space<hbm>> -> memref<2560xf32, #tpu.memory_space<hbm>>
        tpu.enqueue_dma source(%dma_start3A_122 : memref<2560xf32, #tpu.memory_space<hbm>>) target(%dma_start3A_121 : memref<2560xf32, #tpu.memory_space<vmem>>) target_semaphore(%arg12 : memref<!tpu.dma_semaphore, #tpu.memory_space<semaphore_mem>>)
      } else {
      }
      %add3A_96 = arith.constant 1 : i32
      %add3A_97 = arith.addi %add3A_60, %add3A_96 : i32
      %lt3A_98 = arith.cmpi slt, %add3A_97, %add3A_4 : i32
      %convert_element_type3A_99 = arith.extui %lt3A_98 : i1 to i32
      %cond3A_100 = arith.constant 0 : i32
      %cond3A_101 = arith.cmpi ne, %convert_element_type3A_99, %cond3A_100 : i32
      scf.if %cond3A_101 {
        %dma_wait3A_102 = arith.constant 0 : i32
        %dma_wait3A_103 = arith.constant 2560 : i32
        %dma_wait3A_104 = tpu.memref_slice %arg8[%dma_wait3A_102, %dma_wait3A_103] : memref<2x5120xi32, #tpu.memory_space<vmem>> -> memref<2x2560xi32, #tpu.memory_space<vmem>>
        %dma_wait3A_105 = arith.constant 0 : i32
        %dma_wait3A_106 = arith.constant 0 : i32
        %dma_wait3A_107 = tpu.memref_slice %arg2[%dma_wait3A_105, %dma_wait3A_106] : memref<2x1600000xi32, #tpu.memory_space<hbm>> -> memref<2x2560xi32, #tpu.memory_space<hbm>>
        %dma_wait3A_108 = arith.constant 0 : i32
        %dma_wait3A_109 = arith.constant 2560 : i32
        %dma_wait3A_110 = tpu.memref_slice %arg8[%dma_wait3A_108, %dma_wait3A_109] : memref<2x5120xi32, #tpu.memory_space<vmem>> -> memref<2x2560xi32, #tpu.memory_space<vmem>>
        %dma_wait3A_111 = arith.constant 0 : i32
        %dma_wait3A_112 = arith.constant 0 : i32
        %dma_wait3A_113 = tpu.memref_slice %arg2[%dma_wait3A_111, %dma_wait3A_112] : memref<2x1600000xi32, #tpu.memory_space<hbm>> -> memref<2x2560xi32, #tpu.memory_space<hbm>>
        tpu.wait_dma2 semaphore(%arg13 : memref<!tpu.dma_semaphore, #tpu.memory_space<semaphore_mem>>) src(%dma_wait3A_113 : memref<2x2560xi32, #tpu.memory_space<hbm>>) dst(%dma_wait3A_110 : memref<2x2560xi32, #tpu.memory_space<vmem>>)
        %dma_wait3A_114 = arith.constant 2560 : i32
        %dma_wait3A_115 = tpu.memref_slice %arg9[%dma_wait3A_114] : memref<5120xf32, #tpu.memory_space<vmem>> -> memref<2560xf32, #tpu.memory_space<vmem>>
        %dma_wait3A_116 = arith.constant 0 : i32
        %dma_wait3A_117 = tpu.memref_slice %arg3[%dma_wait3A_116] : memref<1600000xf32, #tpu.memory_space<hbm>> -> memref<2560xf32, #tpu.memory_space<hbm>>
        %dma_wait3A_118 = arith.constant 2560 : i32
        %dma_wait3A_119 = tpu.memref_slice %arg9[%dma_wait3A_118] : memref<5120xf32, #tpu.memory_space<vmem>> -> memref<2560xf32, #tpu.memory_space<vmem>>
        %dma_wait3A_120 = arith.constant 0 : i32
        %dma_wait3A_121 = tpu.memref_slice %arg3[%dma_wait3A_120] : memref<1600000xf32, #tpu.memory_space<hbm>> -> memref<2560xf32, #tpu.memory_space<hbm>>
        tpu.wait_dma2 semaphore(%arg13 : memref<!tpu.dma_semaphore, #tpu.memory_space<semaphore_mem>>) src(%dma_wait3A_121 : memref<2560xf32, #tpu.memory_space<hbm>>) dst(%dma_wait3A_119 : memref<2560xf32, #tpu.memory_space<vmem>>)
        %parallel_loop3A_122 = arith.constant 0 : i32
        %parallel_loop3A_123 = arith.constant 2560 : i32
        %parallel_loop3A_124 = arith.constant 16 : i32
        scf.for %parallel_loop3A_125 = %parallel_loop3A_122 to %parallel_loop3A_123 step %parallel_loop3A_124  : i32 {
          %parallel_loop3A_126 = arith.constant 2560 : i32
          %parallel_loop3A_127 = arith.addi %parallel_loop3A_126, %parallel_loop3A_125 : i32
          %parallel_loop3A_128 = arith.constant 0 : i32
          %parallel_loop3A_129 = arith.index_cast %parallel_loop3A_128 : i32 to index
          %parallel_loop3A_130 = arith.index_cast %parallel_loop3A_127 : i32 to index
          %parallel_loop3A_131 = tpu.vector_load %arg8[%parallel_loop3A_129, %parallel_loop3A_130] {strides = array<i32>} : memref<2x5120xi32, #tpu.memory_space<vmem>>, vector<16xi32>,
          %parallel_loop3A_132 = arith.constant 2560 : i32
          %parallel_loop3A_133 = arith.addi %parallel_loop3A_132, %parallel_loop3A_125 : i32
          %parallel_loop3A_134 = arith.constant 1 : i32
          %parallel_loop3A_135 = arith.index_cast %parallel_loop3A_134 : i32 to index
          %parallel_loop3A_136 = arith.index_cast %parallel_loop3A_133 : i32 to index
          %parallel_loop3A_137 = tpu.vector_load %arg8[%parallel_loop3A_135, %parallel_loop3A_136] {strides = array<i32>} : memref<2x5120xi32, #tpu.memory_space<vmem>>, vector<16xi32>,
          %parallel_loop3A_138 = arith.constant 2560 : i32
          %parallel_loop3A_139 = arith.addi %parallel_loop3A_138, %parallel_loop3A_125 : i32
          %parallel_loop3A_140 = arith.index_cast %parallel_loop3A_139 : i32 to index
          %parallel_loop3A_141 = tpu.vector_load %arg9[%parallel_loop3A_140] {strides = array<i32>} : memref<5120xf32, #tpu.memory_space<vmem>>, vector<16xf32>,
          %parallel_loop3A_142 = tpu.vector_load_idx %arg6[%parallel_loop3A_131] : memref<50176xf32, #tpu.memory_space<vmem>>[vector<16xi32>], vector<16xf32>,
          %parallel_loop3A_143 = tpu.vector_load_idx %arg6[%parallel_loop3A_137] : memref<50176xf32, #tpu.memory_space<vmem>>[vector<16xi32>], vector<16xf32>,
          %parallel_loop3A_144 = arith.constant 8.000000e+00 : f32
          %parallel_loop3A_145 = vector.broadcast %parallel_loop3A_144 : f32 to vector<16xf32>
          %parallel_loop3A_146 = arith.subf %parallel_loop3A_141, %parallel_loop3A_145 : vector<16xf32>
          %parallel_loop3A_147 = arith.constant 1.57079637 : f32
          %parallel_loop3A_148 = vector.broadcast %parallel_loop3A_147 : f32 to vector<16xf32>
          %parallel_loop3A_149 = arith.mulf %parallel_loop3A_146, %parallel_loop3A_148 : vector<16xf32>
          %parallel_loop3A_150 = arith.constant 0.000000e+00 : f32
          %parallel_loop3A_151 = arith.constant 3.14159274 : f32
          %parallel_loop3A_152 = vector.broadcast %parallel_loop3A_150 : f32 to vector<16xf32>
          %parallel_loop3A_153 = arith.maximumf %parallel_loop3A_152, %parallel_loop3A_149 : vector<16xf32>
          %parallel_loop3A_154 = vector.broadcast %parallel_loop3A_151 : f32 to vector<16xf32>
          %parallel_loop3A_155 = arith.minimumf %parallel_loop3A_154, %parallel_loop3A_153 : vector<16xf32>
          %parallel_loop3A_156 = arith.constant 1.57079637 : f32
          %parallel_loop3A_157 = vector.broadcast %parallel_loop3A_156 : f32 to vector<16xf32>
          %parallel_loop3A_158 = arith.subf %parallel_loop3A_155, %parallel_loop3A_157 : vector<16xf32>
          %parallel_loop3A_159 = arith.mulf %parallel_loop3A_158, %parallel_loop3A_158 : vector<16xf32>
          %parallel_loop3A_160 = arith.constant -7.14268128E-4 : f32
          %parallel_loop3A_161 = vector.broadcast %parallel_loop3A_160 : f32 to vector<16xf32>
          %parallel_loop3A_162 = arith.mulf %parallel_loop3A_159, %parallel_loop3A_161 : vector<16xf32>
          %parallel_loop3A_163 = arith.constant 0.0299992617 : f32
          %parallel_loop3A_164 = vector.broadcast %parallel_loop3A_163 : f32 to vector<16xf32>
          %parallel_loop3A_165 = arith.addf %parallel_loop3A_164, %parallel_loop3A_162 : vector<16xf32>
          %parallel_loop3A_166 = arith.mulf %parallel_loop3A_159, %parallel_loop3A_165 : vector<16xf32>
          %parallel_loop3A_167 = arith.constant -0.599985242 : f32
          %parallel_loop3A_168 = vector.broadcast %parallel_loop3A_167 : f32 to vector<16xf32>
          %parallel_loop3A_169 = arith.addf %parallel_loop3A_168, %parallel_loop3A_166 : vector<16xf32>
          %parallel_loop3A_170 = arith.mulf %parallel_loop3A_159, %parallel_loop3A_169 : vector<16xf32>
          %parallel_loop3A_171 = arith.constant 3.59991145 : f32
          %parallel_loop3A_172 = vector.broadcast %parallel_loop3A_171 : f32 to vector<16xf32>
          %parallel_loop3A_173 = arith.addf %parallel_loop3A_172, %parallel_loop3A_170 : vector<16xf32>
          %parallel_loop3A_174 = arith.mulf %parallel_loop3A_158, %parallel_loop3A_173 : vector<16xf32>
          %parallel_loop3A_175 = arith.constant 3.59991145 : f32
          %parallel_loop3A_176 = vector.broadcast %parallel_loop3A_175 : f32 to vector<16xf32>
          %parallel_loop3A_177 = arith.subf %parallel_loop3A_176, %parallel_loop3A_174 : vector<16xf32>
          %parallel_loop3A_178 = arith.mulf %parallel_loop3A_177, %parallel_loop3A_142 : vector<16xf32>
          %parallel_loop3A_179 = arith.mulf %parallel_loop3A_178, %parallel_loop3A_143 : vector<16xf32>
          %parallel_loop3A_180 = arith.divf %parallel_loop3A_179, %parallel_loop3A_141 : vector<16xf32>
          tpu.vector_store_idx %arg7[%parallel_loop3A_131], %parallel_loop3A_180 {add = true} : memref<50176xf32, #tpu.memory_space<vmem>>[vector<16xi32>], vector<16xf32>,
        } {sc.loop_unroll_factor = 8 : i64, sc.parallel_access}
      } else {
      }
    }
    %while3A_55 = arith.constant 1 : i32
    scf.for %while3A_58 = %while3A_53 to %while3A_49 step %while3A_55  : i32 {
      %mul3A_59 = arith.muli %while3A_58, %while3A : i32
      %add3A_60 = arith.addi %while3A_46, %mul3A_59 : i32
      %add3A_61 = arith.constant 1 : i32
      %add3A_62 = arith.addi %add3A_60, %add3A_61 : i32
      %lt3A_63 = arith.cmpi slt, %add3A_62, %add3A_4 : i32
      %convert_element_type3A_64 = arith.extui %lt3A_63 : i1 to i32
      %cond3A_65 = arith.constant 0 : i32
      %cond3A_66 = arith.cmpi ne, %convert_element_type3A_64, %cond3A_65 : i32
      scf.if %cond3A_66 {
        %add3A_102 = arith.constant 1 : i32
        %add3A_103 = arith.addi %add3A_60, %add3A_102 : i32
        %add3A_104 = arith.addi %add3A_8, %add3A_103 : i32
        %mul3A_105 = arith.constant 2560 : i32
        %mul3A_106 = arith.muli %add3A_104, %mul3A_105 : i32
        %dma_start3A_107 = arith.constant 0 : i32
        %dma_start3A_108 = arith.constant 2560 : i32
        %dma_start3A_109 = tpu.memref_slice %arg8[%dma_start3A_107, %dma_start3A_108] : memref<2x5120xi32, #tpu.memory_space<vmem>> -> memref<2x2560xi32, #tpu.memory_space<vmem>>
        %dma_start3A_110 = arith.constant 0 : i32
        %dma_start3A_111 = tpu.memref_slice %arg2[%dma_start3A_110, %mul3A_106] : memref<2x1600000xi32, #tpu.memory_space<hbm>> -> memref<2x2560xi32, #tpu.memory_space<hbm>>
        %dma_start3A_112 = arith.constant 0 : i32
        %dma_start3A_113 = arith.constant 2560 : i32
        %dma_start3A_114 = tpu.memref_slice %arg8[%dma_start3A_112, %dma_start3A_113] : memref<2x5120xi32, #tpu.memory_space<vmem>> -> memref<2x2560xi32, #tpu.memory_space<vmem>>
        %dma_start3A_115 = arith.constant 0 : i32
        %dma_start3A_116 = tpu.memref_slice %arg2[%dma_start3A_115, %mul3A_106] : memref<2x1600000xi32, #tpu.memory_space<hbm>> -> memref<2x2560xi32, #tpu.memory_space<hbm>>
        tpu.enqueue_dma source(%dma_start3A_116 : memref<2x2560xi32, #tpu.memory_space<hbm>>) target(%dma_start3A_114 : memref<2x2560xi32, #tpu.memory_space<vmem>>) target_semaphore(%arg13 : memref<!tpu.dma_semaphore, #tpu.memory_space<semaphore_mem>>)
        %dma_start3A_117 = arith.constant 2560 : i32
        %dma_start3A_118 = tpu.memref_slice %arg9[%dma_start3A_117] : memref<5120xf32, #tpu.memory_space<vmem>> -> memref<2560xf32, #tpu.memory_space<vmem>>
        %dma_start3A_119 = tpu.memref_slice %arg3[%mul3A_106] : memref<1600000xf32, #tpu.memory_space<hbm>> -> memref<2560xf32, #tpu.memory_space<hbm>>
        %dma_start3A_120 = arith.constant 2560 : i32
        %dma_start3A_121 = tpu.memref_slice %arg9[%dma_start3A_120] : memref<5120xf32, #tpu.memory_space<vmem>> -> memref<2560xf32, #tpu.memory_space<vmem>>
        %dma_start3A_122 = tpu.memref_slice %arg3[%mul3A_106] : memref<1600000xf32, #tpu.memory_space<hbm>> -> memref<2560xf32, #tpu.memory_space<hbm>>
        tpu.enqueue_dma source(%dma_start3A_122 : memref<2560xf32, #tpu.memory_space<hbm>>) target(%dma_start3A_121 : memref<2560xf32, #tpu.memory_space<vmem>>) target_semaphore(%arg13 : memref<!tpu.dma_semaphore, #tpu.memory_space<semaphore_mem>>)
      } else {
      }
      %dma_wait3A_67 = arith.constant 0 : i32
      %dma_wait3A_68 = arith.constant 0 : i32
      %dma_wait3A_69 = tpu.memref_slice %arg8[%dma_wait3A_67, %dma_wait3A_68] : memref<2x5120xi32, #tpu.memory_space<vmem>> -> memref<2x2560xi32, #tpu.memory_space<vmem>>
      %dma_wait3A_70 = arith.constant 0 : i32
      %dma_wait3A_71 = arith.constant 0 : i32
      %dma_wait3A_72 = tpu.memref_slice %arg2[%dma_wait3A_70, %dma_wait3A_71] : memref<2x1600000xi32, #tpu.memory_space<hbm>> -> memref<2x2560xi32, #tpu.memory_space<hbm>>
      %dma_wait3A_73 = arith.constant 0 : i32
      %dma_wait3A_74 = arith.constant 0 : i32
      %dma_wait3A_75 = tpu.memref_slice %arg8[%dma_wait3A_73, %dma_wait3A_74] : memref<2x5120xi32, #tpu.memory_space<vmem>> -> memref<2x2560xi32, #tpu.memory_space<vmem>>
      %dma_wait3A_76 = arith.constant 0 : i32
      %dma_wait3A_77 = arith.constant 0 : i32
      %dma_wait3A_78 = tpu.memref_slice %arg2[%dma_wait3A_76, %dma_wait3A_77] : memref<2x1600000xi32, #tpu.memory_space<hbm>> -> memref<2x2560xi32, #tpu.memory_space<hbm>>
      tpu.wait_dma2 semaphore(%arg12 : memref<!tpu.dma_semaphore, #tpu.memory_space<semaphore_mem>>) src(%dma_wait3A_78 : memref<2x2560xi32, #tpu.memory_space<hbm>>) dst(%dma_wait3A_75 : memref<2x2560xi32, #tpu.memory_space<vmem>>)
      %dma_wait3A_79 = arith.constant 0 : i32
      %dma_wait3A_80 = tpu.memref_slice %arg9[%dma_wait3A_79] : memref<5120xf32, #tpu.memory_space<vmem>> -> memref<2560xf32, #tpu.memory_space<vmem>>
      %dma_wait3A_81 = arith.constant 0 : i32
      %dma_wait3A_82 = tpu.memref_slice %arg3[%dma_wait3A_81] : memref<1600000xf32, #tpu.memory_space<hbm>> -> memref<2560xf32, #tpu.memory_space<hbm>>
      %dma_wait3A_83 = arith.constant 0 : i32
      %dma_wait3A_84 = tpu.memref_slice %arg9[%dma_wait3A_83] : memref<5120xf32, #tpu.memory_space<vmem>> -> memref<2560xf32, #tpu.memory_space<vmem>>
      %dma_wait3A_85 = arith.constant 0 : i32
      %dma_wait3A_86 = tpu.memref_slice %arg3[%dma_wait3A_85] : memref<1600000xf32, #tpu.memory_space<hbm>> -> memref<2560xf32, #tpu.memory_space<hbm>>
      tpu.wait_dma2 semaphore(%arg12 : memref<!tpu.dma_semaphore, #tpu.memory_space<semaphore_mem>>) src(%dma_wait3A_86 : memref<2560xf32, #tpu.memory_space<hbm>>) dst(%dma_wait3A_84 : memref<2560xf32, #tpu.memory_space<vmem>>)
      %parallel_loop3A_87 = arith.constant 0 : i32
      %parallel_loop3A_88 = arith.constant 2560 : i32
      %parallel_loop3A_89 = arith.constant 16 : i32
      scf.for %parallel_loop3A_102 = %parallel_loop3A_87 to %parallel_loop3A_88 step %parallel_loop3A_89  : i32 {
        %parallel_loop3A_103 = arith.constant 0 : i32
        %parallel_loop3A_104 = arith.addi %parallel_loop3A_103, %parallel_loop3A_102 : i32
        %parallel_loop3A_105 = arith.constant 0 : i32
        %parallel_loop3A_106 = arith.index_cast %parallel_loop3A_105 : i32 to index
        %parallel_loop3A_107 = arith.index_cast %parallel_loop3A_104 : i32 to index
        %parallel_loop3A_108 = tpu.vector_load %arg8[%parallel_loop3A_106, %parallel_loop3A_107] {strides = array<i32>} : memref<2x5120xi32, #tpu.memory_space<vmem>>, vector<16xi32>,
        %parallel_loop3A_109 = arith.constant 0 : i32
        %parallel_loop3A_110 = arith.addi %parallel_loop3A_109, %parallel_loop3A_102 : i32
        %parallel_loop3A_111 = arith.constant 1 : i32
        %parallel_loop3A_112 = arith.index_cast %parallel_loop3A_111 : i32 to index
        %parallel_loop3A_113 = arith.index_cast %parallel_loop3A_110 : i32 to index
        %parallel_loop3A_114 = tpu.vector_load %arg8[%parallel_loop3A_112, %parallel_loop3A_113] {strides = array<i32>} : memref<2x5120xi32, #tpu.memory_space<vmem>>, vector<16xi32>,
        %parallel_loop3A_115 = arith.constant 0 : i32
        %parallel_loop3A_116 = arith.addi %parallel_loop3A_115, %parallel_loop3A_102 : i32
        %parallel_loop3A_117 = arith.index_cast %parallel_loop3A_116 : i32 to index
        %parallel_loop3A_118 = tpu.vector_load %arg9[%parallel_loop3A_117] {strides = array<i32>} : memref<5120xf32, #tpu.memory_space<vmem>>, vector<16xf32>,
        %parallel_loop3A_119 = tpu.vector_load_idx %arg6[%parallel_loop3A_108] : memref<50176xf32, #tpu.memory_space<vmem>>[vector<16xi32>], vector<16xf32>,
        %parallel_loop3A_120 = tpu.vector_load_idx %arg6[%parallel_loop3A_114] : memref<50176xf32, #tpu.memory_space<vmem>>[vector<16xi32>], vector<16xf32>,
        %parallel_loop3A_121 = arith.constant 8.000000e+00 : f32
        %parallel_loop3A_122 = vector.broadcast %parallel_loop3A_121 : f32 to vector<16xf32>
        %parallel_loop3A_123 = arith.subf %parallel_loop3A_118, %parallel_loop3A_122 : vector<16xf32>
        %parallel_loop3A_124 = arith.constant 1.57079637 : f32
        %parallel_loop3A_125 = vector.broadcast %parallel_loop3A_124 : f32 to vector<16xf32>
        %parallel_loop3A_126 = arith.mulf %parallel_loop3A_123, %parallel_loop3A_125 : vector<16xf32>
        %parallel_loop3A_127 = arith.constant 0.000000e+00 : f32
        %parallel_loop3A_128 = arith.constant 3.14159274 : f32
        %parallel_loop3A_129 = vector.broadcast %parallel_loop3A_127 : f32 to vector<16xf32>
        %parallel_loop3A_130 = arith.maximumf %parallel_loop3A_129, %parallel_loop3A_126 : vector<16xf32>
        %parallel_loop3A_131 = vector.broadcast %parallel_loop3A_128 : f32 to vector<16xf32>
        %parallel_loop3A_132 = arith.minimumf %parallel_loop3A_131, %parallel_loop3A_130 : vector<16xf32>
        %parallel_loop3A_133 = arith.constant 1.57079637 : f32
        %parallel_loop3A_134 = vector.broadcast %parallel_loop3A_133 : f32 to vector<16xf32>
        %parallel_loop3A_135 = arith.subf %parallel_loop3A_132, %parallel_loop3A_134 : vector<16xf32>
        %parallel_loop3A_136 = arith.mulf %parallel_loop3A_135, %parallel_loop3A_135 : vector<16xf32>
        %parallel_loop3A_137 = arith.constant -7.14268128E-4 : f32
        %parallel_loop3A_138 = vector.broadcast %parallel_loop3A_137 : f32 to vector<16xf32>
        %parallel_loop3A_139 = arith.mulf %parallel_loop3A_136, %parallel_loop3A_138 : vector<16xf32>
        %parallel_loop3A_140 = arith.constant 0.0299992617 : f32
        %parallel_loop3A_141 = vector.broadcast %parallel_loop3A_140 : f32 to vector<16xf32>
        %parallel_loop3A_142 = arith.addf %parallel_loop3A_141, %parallel_loop3A_139 : vector<16xf32>
        %parallel_loop3A_143 = arith.mulf %parallel_loop3A_136, %parallel_loop3A_142 : vector<16xf32>
        %parallel_loop3A_144 = arith.constant -0.599985242 : f32
        %parallel_loop3A_145 = vector.broadcast %parallel_loop3A_144 : f32 to vector<16xf32>
        %parallel_loop3A_146 = arith.addf %parallel_loop3A_145, %parallel_loop3A_143 : vector<16xf32>
        %parallel_loop3A_147 = arith.mulf %parallel_loop3A_136, %parallel_loop3A_146 : vector<16xf32>
        %parallel_loop3A_148 = arith.constant 3.59991145 : f32
        %parallel_loop3A_149 = vector.broadcast %parallel_loop3A_148 : f32 to vector<16xf32>
        %parallel_loop3A_150 = arith.addf %parallel_loop3A_149, %parallel_loop3A_147 : vector<16xf32>
        %parallel_loop3A_151 = arith.mulf %parallel_loop3A_135, %parallel_loop3A_150 : vector<16xf32>
        %parallel_loop3A_152 = arith.constant 3.59991145 : f32
        %parallel_loop3A_153 = vector.broadcast %parallel_loop3A_152 : f32 to vector<16xf32>
        %parallel_loop3A_154 = arith.subf %parallel_loop3A_153, %parallel_loop3A_151 : vector<16xf32>
        %parallel_loop3A_155 = arith.mulf %parallel_loop3A_154, %parallel_loop3A_119 : vector<16xf32>
        %parallel_loop3A_156 = arith.mulf %parallel_loop3A_155, %parallel_loop3A_120 : vector<16xf32>
        %parallel_loop3A_157 = arith.divf %parallel_loop3A_156, %parallel_loop3A_118 : vector<16xf32>
        tpu.vector_store_idx %arg7[%parallel_loop3A_108], %parallel_loop3A_157 {add = true} : memref<50176xf32, #tpu.memory_space<vmem>>[vector<16xi32>], vector<16xf32>,
      } {sc.loop_unroll_factor = 8 : i64, sc.parallel_access}
      %add3A_90 = arith.constant 2 : i32
      %add3A_91 = arith.addi %add3A_60, %add3A_90 : i32
      %lt3A_92 = arith.cmpi slt, %add3A_91, %add3A_4 : i32
      %convert_element_type3A_93 = arith.extui %lt3A_92 : i1 to i32
      %cond3A_94 = arith.constant 0 : i32
      %cond3A_95 = arith.cmpi ne, %convert_element_type3A_93, %cond3A_94 : i32
      scf.if %cond3A_95 {
        %add3A_102 = arith.constant 2 : i32
        %add3A_103 = arith.addi %add3A_60, %add3A_102 : i32
        %add3A_104 = arith.addi %add3A_8, %add3A_103 : i32
        %mul3A_105 = arith.constant 2560 : i32
        %mul3A_106 = arith.muli %add3A_104, %mul3A_105 : i32
        %dma_start3A_107 = arith.constant 0 : i32
        %dma_start3A_108 = arith.constant 0 : i32
        %dma_start3A_109 = tpu.memref_slice %arg8[%dma_start3A_107, %dma_start3A_108] : memref<2x5120xi32, #tpu.memory_space<vmem>> -> memref<2x2560xi32, #tpu.memory_space<vmem>>
        %dma_start3A_110 = arith.constant 0 : i32
        %dma_start3A_111 = tpu.memref_slice %arg2[%dma_start3A_110, %mul3A_106] : memref<2x1600000xi32, #tpu.memory_space<hbm>> -> memref<2x2560xi32, #tpu.memory_space<hbm>>
        %dma_start3A_112 = arith.constant 0 : i32
        %dma_start3A_113 = arith.constant 0 : i32
        %dma_start3A_114 = tpu.memref_slice %arg8[%dma_start3A_112, %dma_start3A_113] : memref<2x5120xi32, #tpu.memory_space<vmem>> -> memref<2x2560xi32, #tpu.memory_space<vmem>>
        %dma_start3A_115 = arith.constant 0 : i32
        %dma_start3A_116 = tpu.memref_slice %arg2[%dma_start3A_115, %mul3A_106] : memref<2x1600000xi32, #tpu.memory_space<hbm>> -> memref<2x2560xi32, #tpu.memory_space<hbm>>
        tpu.enqueue_dma source(%dma_start3A_116 : memref<2x2560xi32, #tpu.memory_space<hbm>>) target(%dma_start3A_114 : memref<2x2560xi32, #tpu.memory_space<vmem>>) target_semaphore(%arg12 : memref<!tpu.dma_semaphore, #tpu.memory_space<semaphore_mem>>)
        %dma_start3A_117 = arith.constant 0 : i32
        %dma_start3A_118 = tpu.memref_slice %arg9[%dma_start3A_117] : memref<5120xf32, #tpu.memory_space<vmem>> -> memref<2560xf32, #tpu.memory_space<vmem>>
        %dma_start3A_119 = tpu.memref_slice %arg3[%mul3A_106] : memref<1600000xf32, #tpu.memory_space<hbm>> -> memref<2560xf32, #tpu.memory_space<hbm>>
        %dma_start3A_120 = arith.constant 0 : i32
        %dma_start3A_121 = tpu.memref_slice %arg9[%dma_start3A_120] : memref<5120xf32, #tpu.memory_space<vmem>> -> memref<2560xf32, #tpu.memory_space<vmem>>
        %dma_start3A_122 = tpu.memref_slice %arg3[%mul3A_106] : memref<1600000xf32, #tpu.memory_space<hbm>> -> memref<2560xf32, #tpu.memory_space<hbm>>
        tpu.enqueue_dma source(%dma_start3A_122 : memref<2560xf32, #tpu.memory_space<hbm>>) target(%dma_start3A_121 : memref<2560xf32, #tpu.memory_space<vmem>>) target_semaphore(%arg12 : memref<!tpu.dma_semaphore, #tpu.memory_space<semaphore_mem>>)
      } else {
      }
      %add3A_96 = arith.constant 1 : i32
      %add3A_97 = arith.addi %add3A_60, %add3A_96 : i32
      %lt3A_98 = arith.cmpi slt, %add3A_97, %add3A_4 : i32
      %convert_element_type3A_99 = arith.extui %lt3A_98 : i1 to i32
      %cond3A_100 = arith.constant 0 : i32
      %cond3A_101 = arith.cmpi ne, %convert_element_type3A_99, %cond3A_100 : i32
      scf.if %cond3A_101 {
        %dma_wait3A_102 = arith.constant 0 : i32
        %dma_wait3A_103 = arith.constant 2560 : i32
        %dma_wait3A_104 = tpu.memref_slice %arg8[%dma_wait3A_102, %dma_wait3A_103] : memref<2x5120xi32, #tpu.memory_space<vmem>> -> memref<2x2560xi32, #tpu.memory_space<vmem>>
        %dma_wait3A_105 = arith.constant 0 : i32
        %dma_wait3A_106 = arith.constant 0 : i32
        %dma_wait3A_107 = tpu.memref_slice %arg2[%dma_wait3A_105, %dma_wait3A_106] : memref<2x1600000xi32, #tpu.memory_space<hbm>> -> memref<2x2560xi32, #tpu.memory_space<hbm>>
        %dma_wait3A_108 = arith.constant 0 : i32
        %dma_wait3A_109 = arith.constant 2560 : i32
        %dma_wait3A_110 = tpu.memref_slice %arg8[%dma_wait3A_108, %dma_wait3A_109] : memref<2x5120xi32, #tpu.memory_space<vmem>> -> memref<2x2560xi32, #tpu.memory_space<vmem>>
        %dma_wait3A_111 = arith.constant 0 : i32
        %dma_wait3A_112 = arith.constant 0 : i32
        %dma_wait3A_113 = tpu.memref_slice %arg2[%dma_wait3A_111, %dma_wait3A_112] : memref<2x1600000xi32, #tpu.memory_space<hbm>> -> memref<2x2560xi32, #tpu.memory_space<hbm>>
        tpu.wait_dma2 semaphore(%arg13 : memref<!tpu.dma_semaphore, #tpu.memory_space<semaphore_mem>>) src(%dma_wait3A_113 : memref<2x2560xi32, #tpu.memory_space<hbm>>) dst(%dma_wait3A_110 : memref<2x2560xi32, #tpu.memory_space<vmem>>)
        %dma_wait3A_114 = arith.constant 2560 : i32
        %dma_wait3A_115 = tpu.memref_slice %arg9[%dma_wait3A_114] : memref<5120xf32, #tpu.memory_space<vmem>> -> memref<2560xf32, #tpu.memory_space<vmem>>
        %dma_wait3A_116 = arith.constant 0 : i32
        %dma_wait3A_117 = tpu.memref_slice %arg3[%dma_wait3A_116] : memref<1600000xf32, #tpu.memory_space<hbm>> -> memref<2560xf32, #tpu.memory_space<hbm>>
        %dma_wait3A_118 = arith.constant 2560 : i32
        %dma_wait3A_119 = tpu.memref_slice %arg9[%dma_wait3A_118] : memref<5120xf32, #tpu.memory_space<vmem>> -> memref<2560xf32, #tpu.memory_space<vmem>>
        %dma_wait3A_120 = arith.constant 0 : i32
        %dma_wait3A_121 = tpu.memref_slice %arg3[%dma_wait3A_120] : memref<1600000xf32, #tpu.memory_space<hbm>> -> memref<2560xf32, #tpu.memory_space<hbm>>
        tpu.wait_dma2 semaphore(%arg13 : memref<!tpu.dma_semaphore, #tpu.memory_space<semaphore_mem>>) src(%dma_wait3A_121 : memref<2560xf32, #tpu.memory_space<hbm>>) dst(%dma_wait3A_119 : memref<2560xf32, #tpu.memory_space<vmem>>)
        %parallel_loop3A_122 = arith.constant 0 : i32
        %parallel_loop3A_123 = arith.constant 2560 : i32
        %parallel_loop3A_124 = arith.constant 16 : i32
        scf.for %parallel_loop3A_125 = %parallel_loop3A_122 to %parallel_loop3A_123 step %parallel_loop3A_124  : i32 {
          %parallel_loop3A_126 = arith.constant 2560 : i32
          %parallel_loop3A_127 = arith.addi %parallel_loop3A_126, %parallel_loop3A_125 : i32
          %parallel_loop3A_128 = arith.constant 0 : i32
          %parallel_loop3A_129 = arith.index_cast %parallel_loop3A_128 : i32 to index
          %parallel_loop3A_130 = arith.index_cast %parallel_loop3A_127 : i32 to index
          %parallel_loop3A_131 = tpu.vector_load %arg8[%parallel_loop3A_129, %parallel_loop3A_130] {strides = array<i32>} : memref<2x5120xi32, #tpu.memory_space<vmem>>, vector<16xi32>,
          %parallel_loop3A_132 = arith.constant 2560 : i32
          %parallel_loop3A_133 = arith.addi %parallel_loop3A_132, %parallel_loop3A_125 : i32
          %parallel_loop3A_134 = arith.constant 1 : i32
          %parallel_loop3A_135 = arith.index_cast %parallel_loop3A_134 : i32 to index
          %parallel_loop3A_136 = arith.index_cast %parallel_loop3A_133 : i32 to index
          %parallel_loop3A_137 = tpu.vector_load %arg8[%parallel_loop3A_135, %parallel_loop3A_136] {strides = array<i32>} : memref<2x5120xi32, #tpu.memory_space<vmem>>, vector<16xi32>,
          %parallel_loop3A_138 = arith.constant 2560 : i32
          %parallel_loop3A_139 = arith.addi %parallel_loop3A_138, %parallel_loop3A_125 : i32
          %parallel_loop3A_140 = arith.index_cast %parallel_loop3A_139 : i32 to index
          %parallel_loop3A_141 = tpu.vector_load %arg9[%parallel_loop3A_140] {strides = array<i32>} : memref<5120xf32, #tpu.memory_space<vmem>>, vector<16xf32>,
          %parallel_loop3A_142 = tpu.vector_load_idx %arg6[%parallel_loop3A_131] : memref<50176xf32, #tpu.memory_space<vmem>>[vector<16xi32>], vector<16xf32>,
          %parallel_loop3A_143 = tpu.vector_load_idx %arg6[%parallel_loop3A_137] : memref<50176xf32, #tpu.memory_space<vmem>>[vector<16xi32>], vector<16xf32>,
          %parallel_loop3A_144 = arith.constant 8.000000e+00 : f32
          %parallel_loop3A_145 = vector.broadcast %parallel_loop3A_144 : f32 to vector<16xf32>
          %parallel_loop3A_146 = arith.subf %parallel_loop3A_141, %parallel_loop3A_145 : vector<16xf32>
          %parallel_loop3A_147 = arith.constant 1.57079637 : f32
          %parallel_loop3A_148 = vector.broadcast %parallel_loop3A_147 : f32 to vector<16xf32>
          %parallel_loop3A_149 = arith.mulf %parallel_loop3A_146, %parallel_loop3A_148 : vector<16xf32>
          %parallel_loop3A_150 = arith.constant 0.000000e+00 : f32
          %parallel_loop3A_151 = arith.constant 3.14159274 : f32
          %parallel_loop3A_152 = vector.broadcast %parallel_loop3A_150 : f32 to vector<16xf32>
          %parallel_loop3A_153 = arith.maximumf %parallel_loop3A_152, %parallel_loop3A_149 : vector<16xf32>
          %parallel_loop3A_154 = vector.broadcast %parallel_loop3A_151 : f32 to vector<16xf32>
          %parallel_loop3A_155 = arith.minimumf %parallel_loop3A_154, %parallel_loop3A_153 : vector<16xf32>
          %parallel_loop3A_156 = arith.constant 1.57079637 : f32
          %parallel_loop3A_157 = vector.broadcast %parallel_loop3A_156 : f32 to vector<16xf32>
          %parallel_loop3A_158 = arith.subf %parallel_loop3A_155, %parallel_loop3A_157 : vector<16xf32>
          %parallel_loop3A_159 = arith.mulf %parallel_loop3A_158, %parallel_loop3A_158 : vector<16xf32>
          %parallel_loop3A_160 = arith.constant -7.14268128E-4 : f32
          %parallel_loop3A_161 = vector.broadcast %parallel_loop3A_160 : f32 to vector<16xf32>
          %parallel_loop3A_162 = arith.mulf %parallel_loop3A_159, %parallel_loop3A_161 : vector<16xf32>
          %parallel_loop3A_163 = arith.constant 0.0299992617 : f32
          %parallel_loop3A_164 = vector.broadcast %parallel_loop3A_163 : f32 to vector<16xf32>
          %parallel_loop3A_165 = arith.addf %parallel_loop3A_164, %parallel_loop3A_162 : vector<16xf32>
          %parallel_loop3A_166 = arith.mulf %parallel_loop3A_159, %parallel_loop3A_165 : vector<16xf32>
          %parallel_loop3A_167 = arith.constant -0.599985242 : f32
          %parallel_loop3A_168 = vector.broadcast %parallel_loop3A_167 : f32 to vector<16xf32>
          %parallel_loop3A_169 = arith.addf %parallel_loop3A_168, %parallel_loop3A_166 : vector<16xf32>
          %parallel_loop3A_170 = arith.mulf %parallel_loop3A_159, %parallel_loop3A_169 : vector<16xf32>
          %parallel_loop3A_171 = arith.constant 3.59991145 : f32
          %parallel_loop3A_172 = vector.broadcast %parallel_loop3A_171 : f32 to vector<16xf32>
          %parallel_loop3A_173 = arith.addf %parallel_loop3A_172, %parallel_loop3A_170 : vector<16xf32>
          %parallel_loop3A_174 = arith.mulf %parallel_loop3A_158, %parallel_loop3A_173 : vector<16xf32>
          %parallel_loop3A_175 = arith.constant 3.59991145 : f32
          %parallel_loop3A_176 = vector.broadcast %parallel_loop3A_175 : f32 to vector<16xf32>
          %parallel_loop3A_177 = arith.subf %parallel_loop3A_176, %parallel_loop3A_174 : vector<16xf32>
          %parallel_loop3A_178 = arith.mulf %parallel_loop3A_177, %parallel_loop3A_142 : vector<16xf32>
          %parallel_loop3A_179 = arith.mulf %parallel_loop3A_178, %parallel_loop3A_143 : vector<16xf32>
          %parallel_loop3A_180 = arith.divf %parallel_loop3A_179, %parallel_loop3A_141 : vector<16xf32>
          tpu.vector_store_idx %arg7[%parallel_loop3A_131], %parallel_loop3A_180 {add = true} : memref<50176xf32, #tpu.memory_space<vmem>>[vector<16xi32>], vector<16xf32>,
        } {sc.loop_unroll_factor = 8 : i64, sc.parallel_access}
      } else {
      }
    }
    %mul3A_56 = arith.constant 50176 : i32
    %mul3A_57 = arith.muli %add3A, %mul3A_56 : i32
    "tpu.region"() ({
      %run_scoped3A = tpu.sem_alloc : memref<!tpu.dma_semaphore, #tpu.memory_space<semaphore_mem>>
      %dma_start3A_58 = tpu.memref_slice %arg5[%mul3A_57] : memref<1605632xf32, #tpu.memory_space<hbm>> -> memref<50176xf32, #tpu.memory_space<hbm>>
      %dma_start3A_59 = tpu.memref_slice %arg5[%mul3A_57] : memref<1605632xf32, #tpu.memory_space<hbm>> -> memref<50176xf32, #tpu.memory_space<hbm>>
      tpu.enqueue_dma source(%arg7 : memref<50176xf32, #tpu.memory_space<vmem>>) target(%dma_start3A_59 : memref<50176xf32, #tpu.memory_space<hbm>>) target_semaphore(%run_scoped3A : memref<!tpu.dma_semaphore, #tpu.memory_space<semaphore_mem>>)
      %dma_wait3A_60 = tpu.memref_slice %arg5[%mul3A_57] : memref<1605632xf32, #tpu.memory_space<hbm>> -> memref<50176xf32, #tpu.memory_space<hbm>>
      %dma_wait3A_61 = tpu.memref_slice %arg5[%mul3A_57] : memref<1605632xf32, #tpu.memory_space<hbm>> -> memref<50176xf32, #tpu.memory_space<hbm>>
      tpu.wait_dma2 semaphore(%run_scoped3A : memref<!tpu.dma_semaphore, #tpu.memory_space<semaphore_mem>>) src(%arg7 : memref<50176xf32, #tpu.memory_space<vmem>>) dst(%dma_wait3A_61 : memref<50176xf32, #tpu.memory_space<hbm>>)
      tpu.yield
    }) : () -> ()
    return
  }
}

module attributes {stable_mosaic.version = 14 : i64} {
  func.func @body(%arg0: memref<1605632xf32, #tpu.memory_space<vmem>>, %arg1: memref<50000xf32, #tpu.memory_space<vmem>>) attributes {dimension_semantics = [], scalar_prefetch = 0 : i64, scratch_operands = 0 : i64, tpu.core_type = #tpu.core_type<tc>} {
    %get3A = arith.constant 0 : index
    %get3A_0 = vector.load %arg0[%get3A] : memref<1605632xf32, #tpu.memory_space<vmem>>, vector<50176xf32>
    %get3A_1 = arith.constant 50176 : index
    %get3A_2 = vector.load %arg0[%get3A_1] : memref<1605632xf32, #tpu.memory_space<vmem>>, vector<50176xf32>
    %add3A = arith.addf %get3A_0, %get3A_2 : vector<50176xf32>
    %get3A_3 = arith.constant 100352 : index
    %get3A_4 = vector.load %arg0[%get3A_3] : memref<1605632xf32, #tpu.memory_space<vmem>>, vector<50176xf32>
    %add3A_5 = arith.addf %add3A, %get3A_4 : vector<50176xf32>
    %get3A_6 = arith.constant 150528 : index
    %get3A_7 = vector.load %arg0[%get3A_6] : memref<1605632xf32, #tpu.memory_space<vmem>>, vector<50176xf32>
    %add3A_8 = arith.addf %add3A_5, %get3A_7 : vector<50176xf32>
    %get3A_9 = arith.constant 200704 : index
    %get3A_10 = vector.load %arg0[%get3A_9] : memref<1605632xf32, #tpu.memory_space<vmem>>, vector<50176xf32>
    %add3A_11 = arith.addf %add3A_8, %get3A_10 : vector<50176xf32>
    %get3A_12 = arith.constant 250880 : index
    %get3A_13 = vector.load %arg0[%get3A_12] : memref<1605632xf32, #tpu.memory_space<vmem>>, vector<50176xf32>
    %add3A_14 = arith.addf %add3A_11, %get3A_13 : vector<50176xf32>
    %get3A_15 = arith.constant 301056 : index
    %get3A_16 = vector.load %arg0[%get3A_15] : memref<1605632xf32, #tpu.memory_space<vmem>>, vector<50176xf32>
    %add3A_17 = arith.addf %add3A_14, %get3A_16 : vector<50176xf32>
    %get3A_18 = arith.constant 351232 : index
    %get3A_19 = vector.load %arg0[%get3A_18] : memref<1605632xf32, #tpu.memory_space<vmem>>, vector<50176xf32>
    %add3A_20 = arith.addf %add3A_17, %get3A_19 : vector<50176xf32>
    %get3A_21 = arith.constant 401408 : index
    %get3A_22 = vector.load %arg0[%get3A_21] : memref<1605632xf32, #tpu.memory_space<vmem>>, vector<50176xf32>
    %add3A_23 = arith.addf %add3A_20, %get3A_22 : vector<50176xf32>
    %get3A_24 = arith.constant 451584 : index
    %get3A_25 = vector.load %arg0[%get3A_24] : memref<1605632xf32, #tpu.memory_space<vmem>>, vector<50176xf32>
    %add3A_26 = arith.addf %add3A_23, %get3A_25 : vector<50176xf32>
    %get3A_27 = arith.constant 501760 : index
    %get3A_28 = vector.load %arg0[%get3A_27] : memref<1605632xf32, #tpu.memory_space<vmem>>, vector<50176xf32>
    %add3A_29 = arith.addf %add3A_26, %get3A_28 : vector<50176xf32>
    %get3A_30 = arith.constant 551936 : index
    %get3A_31 = vector.load %arg0[%get3A_30] : memref<1605632xf32, #tpu.memory_space<vmem>>, vector<50176xf32>
    %add3A_32 = arith.addf %add3A_29, %get3A_31 : vector<50176xf32>
    %get3A_33 = arith.constant 602112 : index
    %get3A_34 = vector.load %arg0[%get3A_33] : memref<1605632xf32, #tpu.memory_space<vmem>>, vector<50176xf32>
    %add3A_35 = arith.addf %add3A_32, %get3A_34 : vector<50176xf32>
    %get3A_36 = arith.constant 652288 : index
    %get3A_37 = vector.load %arg0[%get3A_36] : memref<1605632xf32, #tpu.memory_space<vmem>>, vector<50176xf32>
    %add3A_38 = arith.addf %add3A_35, %get3A_37 : vector<50176xf32>
    %get3A_39 = arith.constant 702464 : index
    %get3A_40 = vector.load %arg0[%get3A_39] : memref<1605632xf32, #tpu.memory_space<vmem>>, vector<50176xf32>
    %add3A_41 = arith.addf %add3A_38, %get3A_40 : vector<50176xf32>
    %get3A_42 = arith.constant 752640 : index
    %get3A_43 = vector.load %arg0[%get3A_42] : memref<1605632xf32, #tpu.memory_space<vmem>>, vector<50176xf32>
    %add3A_44 = arith.addf %add3A_41, %get3A_43 : vector<50176xf32>
    %get3A_45 = arith.constant 802816 : index
    %get3A_46 = vector.load %arg0[%get3A_45] : memref<1605632xf32, #tpu.memory_space<vmem>>, vector<50176xf32>
    %add3A_47 = arith.addf %add3A_44, %get3A_46 : vector<50176xf32>
    %get3A_48 = arith.constant 852992 : index
    %get3A_49 = vector.load %arg0[%get3A_48] : memref<1605632xf32, #tpu.memory_space<vmem>>, vector<50176xf32>
    %add3A_50 = arith.addf %add3A_47, %get3A_49 : vector<50176xf32>
    %get3A_51 = arith.constant 903168 : index
    %get3A_52 = vector.load %arg0[%get3A_51] : memref<1605632xf32, #tpu.memory_space<vmem>>, vector<50176xf32>
    %add3A_53 = arith.addf %add3A_50, %get3A_52 : vector<50176xf32>
    %get3A_54 = arith.constant 953344 : index
    %get3A_55 = vector.load %arg0[%get3A_54] : memref<1605632xf32, #tpu.memory_space<vmem>>, vector<50176xf32>
    %add3A_56 = arith.addf %add3A_53, %get3A_55 : vector<50176xf32>
    %get3A_57 = arith.constant 1003520 : index
    %get3A_58 = vector.load %arg0[%get3A_57] : memref<1605632xf32, #tpu.memory_space<vmem>>, vector<50176xf32>
    %add3A_59 = arith.addf %add3A_56, %get3A_58 : vector<50176xf32>
    %get3A_60 = arith.constant 1053696 : index
    %get3A_61 = vector.load %arg0[%get3A_60] : memref<1605632xf32, #tpu.memory_space<vmem>>, vector<50176xf32>
    %add3A_62 = arith.addf %add3A_59, %get3A_61 : vector<50176xf32>
    %get3A_63 = arith.constant 1103872 : index
    %get3A_64 = vector.load %arg0[%get3A_63] : memref<1605632xf32, #tpu.memory_space<vmem>>, vector<50176xf32>
    %add3A_65 = arith.addf %add3A_62, %get3A_64 : vector<50176xf32>
    %get3A_66 = arith.constant 1154048 : index
    %get3A_67 = vector.load %arg0[%get3A_66] : memref<1605632xf32, #tpu.memory_space<vmem>>, vector<50176xf32>
    %add3A_68 = arith.addf %add3A_65, %get3A_67 : vector<50176xf32>
    %get3A_69 = arith.constant 1204224 : index
    %get3A_70 = vector.load %arg0[%get3A_69] : memref<1605632xf32, #tpu.memory_space<vmem>>, vector<50176xf32>
    %add3A_71 = arith.addf %add3A_68, %get3A_70 : vector<50176xf32>
    %get3A_72 = arith.constant 1254400 : index
    %get3A_73 = vector.load %arg0[%get3A_72] : memref<1605632xf32, #tpu.memory_space<vmem>>, vector<50176xf32>
    %add3A_74 = arith.addf %add3A_71, %get3A_73 : vector<50176xf32>
    %get3A_75 = arith.constant 1304576 : index
    %get3A_76 = vector.load %arg0[%get3A_75] : memref<1605632xf32, #tpu.memory_space<vmem>>, vector<50176xf32>
    %add3A_77 = arith.addf %add3A_74, %get3A_76 : vector<50176xf32>
    %get3A_78 = arith.constant 1354752 : index
    %get3A_79 = vector.load %arg0[%get3A_78] : memref<1605632xf32, #tpu.memory_space<vmem>>, vector<50176xf32>
    %add3A_80 = arith.addf %add3A_77, %get3A_79 : vector<50176xf32>
    %get3A_81 = arith.constant 1404928 : index
    %get3A_82 = vector.load %arg0[%get3A_81] : memref<1605632xf32, #tpu.memory_space<vmem>>, vector<50176xf32>
    %add3A_83 = arith.addf %add3A_80, %get3A_82 : vector<50176xf32>
    %get3A_84 = arith.constant 1455104 : index
    %get3A_85 = vector.load %arg0[%get3A_84] : memref<1605632xf32, #tpu.memory_space<vmem>>, vector<50176xf32>
    %add3A_86 = arith.addf %add3A_83, %get3A_85 : vector<50176xf32>
    %get3A_87 = arith.constant 1505280 : index
    %get3A_88 = vector.load %arg0[%get3A_87] : memref<1605632xf32, #tpu.memory_space<vmem>>, vector<50176xf32>
    %add3A_89 = arith.addf %add3A_86, %get3A_88 : vector<50176xf32>
    %get3A_90 = arith.constant 1555456 : index
    %get3A_91 = vector.load %arg0[%get3A_90] : memref<1605632xf32, #tpu.memory_space<vmem>>, vector<50176xf32>
    %add3A_92 = arith.addf %add3A_89, %get3A_91 : vector<50176xf32>
    %slice3A = vector.extract_strided_slice %add3A_92 {offsets = [0], sizes = [50000], strides = [1]} : vector<50176xf32> to vector<50000xf32>
    %swap3A = arith.constant 0 : index
    %swap3A_93 = vector.load %arg1[%swap3A] : memref<50000xf32, #tpu.memory_space<vmem>>, vector<50000xf32>
    tpu.vector_store %arg1[%swap3A], %slice3A {strides = array<i32>} : memref<50000xf32, #tpu.memory_space<vmem>>, vector<50000xf32>,
    return
  }
}

</mosaic_0001>

<sc_bundles>
// kernel: kernel.4.cloned.1.call-start
scs
__scs_entry_jumppad:
0x0: {  	(pc) =	sbr.rel $0x88, $3  }
0x1: {  	(tag) =	ssettag $0x0;
	lr =	simm.s32 $0x1  }
0x2: {  	[smem:$0x3F9E] =	sst lr;
	_ =	strace $0xD0000000  }
0x3: {  	_ = 	snop  }
0x4: {  	_ = 	snop  }
0x5: {  	_ = 	snop  }
0x6: {  	_ = 	snop  }
0x7: {  	_ = 	snop  }
__scs_overlays_trampoline_lowered:
0x8: {  	[smem:$0x3FAD] =	sst s0  }
0x9: {  	[smem:$0x3FAE] =	sst s1  }
0xa: {  	[smem:$0x3FAF] =	sst s2  }
0xb: {  	[smem:$0x3FB0] =	sst s3  }
0xc: {  	[smem:$0x3FB1] =	sst s4  }
0xd: {  	[smem:$0x3FB2] =	sst s5  }
0xe: {  	[smem:$0x3FB3] =	sst s6  }
0xf: {  	[smem:$0x3FB4] =	sst s7  }
0x10: {  	[smem:$0x3FB5] =	sst s8  }
0x11: {  	[smem:$0x3FB6] =	sst s9;
	s0 =	simm.s32 @!p0 $0x0  }
0x12: {  	s1 =	sld [smem:$0x3F9C];
	s0 =	simm.s32 @p0 $0x1  }
0x13: {  	[smem:$0x3FB7] =	sst s0;
	s0 =	simm.s32 @!p1 $0x0  }
0x14: {  	s2 =	sld [smem:$0x3F9B];
	s0 =	simm.s32 @p1 $0x1  }
0x15: {  	[smem:$0x3FB8] =	sst s0;
	s0 =	simm.s32 @!p2 $0x0  }
0x16: {  	s3 =	sld [smem:$0x3FDB];
	s0 =	simm.s32 @p2 $0x1  }
0x17: {  	s4 =	simm.s32 $0x1BF5;
	[smem:$0x3FBA] =	sst s0  }
0x18: {  	s0 =	sld [smem:$0x3F9D];
	_ =	swait.ge [sflag:s4], $0x0  }
0x19: {  	s7 =	sld [smem:$0x3F9E]  }
0x1a: {  	s8 =	sadd.s32 $0xFFFFE003, lr  }
0x1b: {  	s9 =	sadd.s32 $0xFFFFFEF7, lr;
	s5 =	simm.s32 $0xFFFFFFFF;
	p2 =	slt.u32 s8, $0xFFFFF086  }
0x1c: {  	p1 =	slt.u32 s9, $0xF7A;
	s5 =	simm.s32 @!p2 $0x0  }
0x1d: {  	s5 =	simm.s32 @p1 $0x1;
	p0 =	seq.s32 s7, s2  }
0x1e: {  	s7 =	smul.u32 @!p0 $0xF7A, s2;
	p2 =	seq.s32 @!p0 s5, $0x0  }
0x1f: {  	s9 =	smul.u32 $0xF7A, s1;
	s8 =	simm.s32 @!p0 $0x1BF5;
	p2 =	por !p2, p0  }
0x20: {  	[sflag:s8] =	ssyncset.s32 @!p0 $0xFFFFF086;
	s6 =	sadd.s32 @!p0 s3, s7;
	s7 =	simm.s32 @!p0 $0x108  }
0x21: {  	s3 =	sadd.s32 s3, s9;
	s6 =	sadd.s32 @!p0 $0x88, s6;
	s7 =	simm.s32 @p2 $0x1082  }
0x22: {  	[simem:s7], [sflag:s8] =	dma.local @!p0 [hbm:s6], $0xF7A  }
0x23: {  	s9 =	sor.u32 $0xD0000000, s2;
	s6 =	simm.s32 $0x108;
	_ =	swait.ge @!p0 [sflag:s8], $0x0  }
0x24: {  	s3 =	sadd.s32 $0x88, s3;
	s6 =	simm.s32 @!p1 $0x1082;
	[sflag:s4] =	ssyncset.s32 $0xFFFFF086  }
0x25: {  	[simem:s6], [sflag:s4] =	dma.local [hbm:s3], $0xF7A  }
0x26: {  	[smem:$0x3F9E] =	sst s1;
	(tag) =	ssettag s2;
	_ =	strace s9  }
0x27: {  	s1 =	sld [smem:$0x3FAE]  }
0x28: {  	s2 =	sld [smem:$0x3FAF]  }
0x29: {  	s4 =	sld [smem:$0x3FB1]  }
0x2a: {  	p0 =	seq.s32 s5, $0x0;
	s5 =	sld [smem:$0x3FB2]  }
0x2b: {  	s6 =	sld [smem:$0x3FB3]  }
0x2c: {  	s7 =	sld [smem:$0x3FB4]  }
0x2d: {  	s3 =	simm.s32 $0x108;
	s8 =	sld [smem:$0x3FB5]  }
0x2e: {  	s3 =	simm.s32 @!p0 $0x1082;
	s9 =	sld [smem:$0x3FB6]  }
0x2f: {  	lr =	sadd.s32 s0, s3;
	s0 =	sld [smem:$0x3FAD]  }
0x30: {  	s3 =	sld [smem:$0x3FB0]  }
0x31: {  	[smem:$0x3FB9] =	sst s10  }
0x32: {  	s10 =	sld [smem:$0x3FB7];
	_ =	sdelay $0x3  }
0x33: {  	p0 =	seq.s32 s10, $0x1;
	s10 =	sld [smem:$0x3FB9];
	_ =	sdelay $0x3  }
0x34: {  	[smem:$0x3FB9] =	sst s10  }
0x35: {  	s10 =	sld [smem:$0x3FB8];
	_ =	sdelay $0x3  }
0x36: {  	p1 =	seq.s32 s10, $0x1;
	s10 =	sld [smem:$0x3FB9];
	_ =	sdelay $0x3  }
0x37: {  	[smem:$0x3FB9] =	sst s10  }
0x38: {  	s10 =	sld [smem:$0x3FBA]  }
0x39: {  	_ = 	snop;
	(pc) =	sbr.ind lr, $3  }
0x3a: {  	_ = 	snop  }
0x3b: {  	_ = 	snop  }
0x3c: {  	p2 =	seq.s32 s10, $0x1;
	s10 =	sld [smem:$0x3FB9]  }
0x3d: {  	_ =	shalt  }
0x3e: {  	_ =	shalt  }
0x3f: {  	_ =	shalt  }
0x40: {  	_ =	shalt  }
0x41: {  	_ =	shalt  }
0x42: {  	_ =	shalt  }
0x43: {  	_ =	shalt  }
0x44: {  	_ =	shalt  }
0x45: {  	_ =	shalt  }
0x46: {  	_ =	shalt  }
0x47: {  	_ =	shalt  }
0x48: {  	_ =	shalt  }
0x49: {  	_ =	shalt  }
0x4a: {  	_ =	shalt  }
0x4b: {  	_ =	shalt  }
0x4c: {  	_ =	shalt  }
0x4d: {  	_ =	shalt  }
0x4e: {  	_ =	shalt  }
0x4f: {  	_ =	shalt  }
0x50: {  	_ =	shalt  }
0x51: {  	_ =	shalt  }
0x52: {  	_ =	shalt  }
0x53: {  	_ =	shalt  }
0x54: {  	_ =	shalt  }
0x55: {  	_ =	shalt  }
0x56: {  	_ =	shalt  }
0x57: {  	_ =	shalt  }
0x58: {  	_ =	shalt  }
0x59: {  	_ =	shalt  }
0x5a: {  	_ =	shalt  }
0x5b: {  	_ =	shalt  }
0x5c: {  	_ =	shalt  }
0x5d: {  	_ =	shalt  }
0x5e: {  	_ =	shalt  }
0x5f: {  	_ =	shalt  }
0x60: {  	_ =	shalt  }
0x61: {  	_ =	shalt  }
0x62: {  	_ =	shalt  }
0x63: {  	_ =	shalt  }
0x64: {  	_ =	shalt  }
0x65: {  	_ =	shalt  }
0x66: {  	_ =	shalt  }
0x67: {  	_ =	shalt  }
0x68: {  	_ =	shalt  }
0x69: {  	_ =	shalt  }
0x6a: {  	_ =	shalt  }
0x6b: {  	_ =	shalt  }
0x6c: {  	_ =	shalt  }
0x6d: {  	_ =	shalt  }
0x6e: {  	_ =	shalt  }
0x6f: {  	_ =	shalt  }
0x70: {  	_ =	shalt  }
0x71: {  	_ =	shalt  }
0x72: {  	_ =	shalt  }
0x73: {  	_ =	shalt  }
0x74: {  	_ =	shalt  }
0x75: {  	_ =	shalt  }
0x76: {  	_ =	shalt  }
0x77: {  	_ =	shalt  }
0x78: {  	_ =	shalt  }
0x79: {  	_ =	shalt  }
0x7a: {  	_ =	shalt  }
0x7b: {  	_ =	shalt  }
0x7c: {  	_ =	shalt  }
0x7d: {  	_ =	shalt  }
0x7e: {  	_ =	shalt  }
0x7f: {  	_ =	shalt  }
0x80: {  	_ =	shalt  }
0x81: {  	_ =	shalt  }
0x82: {  	_ =	shalt  }
0x83: {  	_ =	shalt  }
0x84: {  	_ =	shalt  }
0x85: {  	_ =	shalt  }
0x86: {  	_ =	shalt  }
0x87: {  	_ =	shalt  }
.Lfunc_end0:
.L_simem_size_0:
called_computation_lowered:
.L_overlay_start_0:
0x88: {  	s2 =	sld [smem:$0x3FD9]  }
0x89: {  	s3 =	sld [smem:$0x3FFE];
	_ =	sdelay $0x1  }
0x8a: {  	s1 =	srdreg.scid  }
0x8b: {  	s0 =	sand.u32 $0x1, s1  }
0x8c: {  	s17 =	sshll.u32 s0, $0xA;
	s2 =	sadd.s32 s3, s2  }
0x8d: {  	s2 =	sadd.s32 s2, s17  }
0x8e: {  	[smem:$0x3FC5] =	sst s2  }
0x8f: {  	_ = 	snop  }
0x90: {  	s2 =	sld [smem:$0x3FC9]  }
0x91: {  	s18 =	sld [smem:$0x3FC8]  }
0x92: {  	s4 =	sld [smem:$0x3FC7];
	(tm) =	ssettm $0x1  }
0x93: {  	s5 =	sld [smem:$0x3FFB];
	_ =	sdelay $0x3  }
0x94: {  	_ =	strace s5  }
0x95: {  	s5 =	sld [smem:$0x3FFC];
	_ =	sdelay $0x3  }
0x96: {  	_ =	strace s5  }
0x97: {  	s5 =	sld [smem:$0x3FFD];
	_ =	sdelay $0x3  }
0x98: {  	_ =	strace s5  }
0x99: {  	_ =	strace $0x8FFFFFFF  }
0x9a: {  	s19 =	sld [smem:$0x3FDB];
	_ =	sdelay $0x1  }
0x9b: {  	s6 =	simm.s32 $_scs_section_size  }
0x9c: {  	s7 =	simm.s32 $_size__tile_overlayer_lowered;
	s8 =	simm.s32 $_tile_overlayer_lowered  }
0x9d: {  	s22 =	simm.s32 $0x1BFF;
	s21 =	sshll.u32 s8, $0x1;
	s5 =	sadd.s32 s6, s19  }
0x9e: {  	s9 =	simm.s32 $0x0;
	s20 =	sshll.u32 s7, $0x1;
	s7 =	sadd.s32 s21, s5  }
0x9f: {  	[timem:s9], [sflag:s22] =	dma.local [hbm:s7], s20  }
0xa0: {  	_ =	swait.ge [sflag:s22], s20  }
0xa1: {  	s6 =	ssub.s32 $0x0, s20;
	[sflag:s22] =	ssyncset.done $0x0  }
0xa2: {  	[sflag:s22] =	ssyncadd.s32 s6;
	_ =	sdelay $0x1  }
0xa3: {  	s23 =	simm.s32 $0x1B8B  }
0xa4: {  	_ =	swait.ge [sflag:s23], $0x1  }
0xa5: {  	[sflag:s23] =	ssyncset.done $0x0  }
0xa6: {  	s25 =	simm.s32 $0x1B8E;
	s24 =	sld [smem:$0x3FFE];
	[sflag:s23] =	ssyncadd.s32 $0xFFFFFFFF  }
0xa7: {  	s26 =	simm.s32 $execute0_lowered;
	[smem:$0x3FD2] =	sst s25  }
0xa8: {  	s7 =	sshll.u32 s26, $0x1;
	_ =	strace $0x80000046;
	[dreg:$0x1] =	wrdreg $0xFFFFFFFF  }
0xa9: {  	s28 =	simm.s32 $_size_execute0_lowered;
	s5 =	sadd.s32 s5, s7;
	[dreg:$0x0] =	wrdreg $0x0  }
0xaa: {  	s7 =	sshll.u32 s28, $0x1;
	[dreg:$0x2] =	wrdreg s5  }
0xab: {  	[dreg:$0x3] =	wrdreg s7  }
0xac: {  	[dreg:$0x4] =	wrdreg $0xC0  }
0xad: {  	_ =	task [dreg:s9], $0x5FFFF  }
0xae: {  	[dreg:$0x1] =	wrdreg $0xFFFFFFFF  }
0xaf: {  	[dreg:$0x0] =	wrdreg $0x60  }
0xb0: {  	[dreg:$0x2] =	wrdreg s2  }
0xb1: {  	[dreg:$0x3] =	wrdreg s18  }
0xb2: {  	[dreg:$0x4] =	wrdreg s4  }
0xb3: {  	[dreg:$0x5] =	wrdreg s24  }
0xb4: {  	[dreg:$0x6] =	wrdreg $0x1C4000  }
0xb5: {  	[dreg:$0x7] =	wrdreg $0x9  }
0xb6: {  	_ =	task.clear_ibuf [dreg:s9], $0x8FFFF;
	_ =	strace $0x90000046  }
0xb7: {  	s29 =	simm.s32 $0x9;
	_ =	strace $0x80000048  }
0xb8: {  	_ =	swait.ge [sflag:s29], $0x1  }
0xb9: {  	[sflag:s29] =	ssyncadd.s32 $0xFFFFFFFF  }
0xba: {  	_ =	strace $0x90000048  }
0xbb: {  	_ =	sfence  }
0xbc: {  	s30 =	sld [smem:$0x0];
	_ =	sdelay $0x2  }
0xbd: {  	s31 =	sshll.u32 s1, $0xD;
	s1 =	sshrl.u32 s1, $0x2  }
0xbe: {  	s3 =	sand.u32 $0x4000, s31;
	s1 =	sadd.s32 s1, s30  }
0xbf: {  	s0 =	sor.u32 s3, s0;
	s1 =	sshll.u32 s1, $0x11  }
0xc0: {  	s0 =	sor.u32 s1, s0  }
0xc1: {  	s0 =	sadd.s32 $0x8F2B, s0  }
0xc2: {  	[sflag:s0] =	ssyncadd.remote.s32 $0x1  }
0xc3: {  	_ =	sfence.sel $0xFFFF  }
0xc4: {  	[dreg:$0x0] =	wrdreg $0xFFFFFFFF;
	(pc) =	sbr.abs _section_cstart, $3  }
0xc5: {  	[dreg:$0x1] =	wrdreg $0xFFFFFFFF  }
0xc6: {  	_ =	task.clear_ibuf [dreg:s9], $0x2FFFF;
	_ =	strace $0x9FFFFFFF  }
0xc7: {  	(tm) =	ssettm $0x7FFFFFFF  }
tec
execute0_lowered:
.L_overlay_start_1:
0x0: {  	(tag) =	ssettag $0x1  }
0x1: {  	s0 =	rddreg [dreg:$0x0]  }
0x2: {  	s1 =	rddreg [dreg:$0x1]  }
0x3: {  	s2 =	srdreg.scid;
	s8 =	rddreg [dreg:$0x3]  }
0x4: {  	s12 =	stileid.u32;
	s4 =	rddreg [dreg:$0x4]  }
0x5: {  	s5 =	simm.s32 $0x0;
	s15 =	simm.s32 $0x1;
	s7 =	sand.u32 $0x1, s2  }
0x6: {  	s16 =	simm.s32 $0x2;
	s17 =	simm.s32 $0xC400;
	s3 =	sshll.u32 s7, $0x4  }
0x7: {  	s18 =	simm.s32 $0x3;
	s19 =	simm.s32 $0x4;
	s9 =	sor.u32 s12, s3  }
0x8: {  	s20 =	simm.s32 $0x0;
	s2 =	rddreg [dreg:$0x2];
	s6 =	smul.u32 $0x13, s9  }
0x9: {  	[smem:$0x7FF] =	sst s5;
	s7 =	ssub.s32 $0x2, s7;
	s10 =	smin.u32 s9, $0x11  }
0xa: {  	s31 =	sshrl.u32 s7, $0x1;
	s11 =	smul.u32 $0x1880, s9;
	s6 =	sadd.s32 s10, s6  }
0xb: {  	s3 =	rddreg [dreg:$0x5];
	s14 =	ssub.s32 s7, s31;
	s10 =	smul.u32 $0x280, s6  }
.Ltmp0:
0xc: {  	p0 =	slt.u32 s9, $0x11;
	s7 =	simm.s32 $0x14;
	(pc) =	sbr.rel .LBB2_1-.Ltmp0, $4  }
0xd: {  	_ =	strace $0x80000047;
	s7 =	simm.s32 @!p0 $0x13;
	s13 =	smul.u32 $0x140, s6  }
0xe: {  	p0 =	sne.s32 s12, $0x0;
	s12 =	simm.s32 $0x18800;
	s11 =	sadd.s32 s11, s8  }
0xf: {  	s8 =	sadd.s32 s0, s10;
	s9 =	sadd.s32 s1, s13;
	s10 =	sadd.s32 $0x600, s11  }
0x10: {  	v0 =	vimm.f32 $0.0e+00;
	s11 =	smax.u32 s14, $0x1;
	s13 =	simm.s32 $0x1B000;
	s14 =	sshrl.u32 @!p0 s4, $0x3  }
.LBB2_11:
0x11: {  	s20 =	sadd.s32 $0x1, s20  }
0x12: {  	p1 =	sne.s32 s20, s11  }
.Ltmp1:
0x13: {  	_ = 	snop;
	(pc) =	sbr.rel @!p1 .LBB2_12-.Ltmp1, $4  }
0x14: {  	[hbm4b:s10+s5] =	stream.linear.scatter [tilespmem:s17], [sflag:$0x4], $0xC400, $0x38;
	[tilespmem:$0x1D038] =	vst v63  }
0x15: {  	_ =	swait.ge [sflag:s19], $0xC400  }
0x16: {  	[sflag:s19] =	ssyncset.done $0x0  }
0x17: {  	[sflag:s19] =	ssyncadd.s32 $0xFFFF3C00  }
.LBB2_1:
0x18: {  	[tilespmem:s12], [sflag:$0x2] =	stream.linear.gather [hbm4b:s8+s5], $0x1400, $0x38;
	[tilespmem:$0x1D038] =	vst v63  }
0x19: {  	s21 =	simm.s32 @!p0 $0x1C04  }
0x1a: {  	[tilespmem:s13], [sflag:$0x2] =	stream.linear.gather [hbm4b:s9+s5], $0xA00, $0x38;
	[tilespmem:$0x1D038] =	vst v63  }
0x1b: {  	[spmem:s14], [sflag:s21] =	dma.local @!p0 [hbm:s2], $0x1870  }
0x1c: {  	s21 =	simm.s32 @!p0 $0x4  }
0x1d: {  	_ =	swait.ge @!p0 [sflag:s21], $0x1870  }
0x1e: {  	[sflag:s21] =	ssyncset.done @!p0 $0x0  }
0x1f: {  	[sflag:s21] =	ssyncadd.s32 @!p0 $0xFFFFE790;
	s21 =	simm.s32 $0xC440  }
0x20: {  	[tilespmem:s21+$0xFFFFFFC0] =	vst v0  }
0x21: {  	[tilespmem:s21+$0x30] =	vst v0  }
0x22: {  	[tilespmem:s21+$0x20] =	vst v0  }
0x23: {  	[tilespmem:s21+$0x10] =	vst v0  }
0x24: {  	[tilespmem:s21+$0x0] =	vst v0  }
0x25: {  	[tilespmem:s21+$0xFFFFFFF0] =	vst v0  }
0x26: {  	s22 =	simm.s32 $0x0;
	[tilespmem:s21+$0xFFFFFFE0] =	vst v0  }
.LBB2_2:
0x27: {  	s22 =	sadd.s32 $0x80, s22;
	[tilespmem:s21+$0xFFFFFFD0] =	vst v0;
	s21 =	sadd.s32 $0x80, s21  }
0x28: {  	[tilespmem:s21+$0xFFFFFFC0] =	vst v0;
	p1 =	slt.u32 s22, $0xC380  }
0x29: {  	[tilespmem:s21+$0x30] =	vst v0  }
.Ltmp2:
0x2a: {  	[tilespmem:s21+$0x20] =	vst v0;
	(pc) =	sbr.rel @p1 .LBB2_2-.Ltmp2, $4  }
0x2b: {  	[tilespmem:s21+$0x10] =	vst v0  }
0x2c: {  	[tilespmem:s21+$0x0] =	vst v0  }
0x2d: {  	[tilespmem:s21+$0xFFFFFFF0] =	vst v0  }
0x2e: {  	[tilespmem:s21+$0xFFFFFFE0] =	vst v0  }
0x2f: {  	[tilespmem:s21+$0xFFFFFFD0] =	vst v0  }
.Ltmp3:
0x30: {  	s21 =	simm.s32 $0x0;
	[bflag:$0x0] =	sbarrier.arrive $0xFFFF;
	(pc) =	sbr.rel .LBB2_4-.Ltmp3, $4  }
0x31: {  	[tilespmem:s21], [sflag:$0x1] =	stream.linear.gather [spmem:s4], $0xC350, $0x38;
	[tilespmem:$0x1D038] =	vst v63  }
0x32: {  	_ =	swait.ge [sflag:s15], $0xC350  }
0x33: {  	[sflag:s15] =	ssyncset.done $0x0  }
0x34: {  	[sflag:s15] =	ssyncadd.s32 $0xFFFF3CB0  }
.LBB2_10:
0x35: {  	s21 =	sadd.s32 $0x1, s21  }
0x36: {  	p1 =	sne.s32 s21, $0xA  }
.Ltmp4:
0x37: {  	_ = 	snop;
	(pc) =	sbr.rel @!p1 .LBB2_11-.Ltmp4, $1  }
0x38: {  	_ =	sdelay $0x3  }
.LBB2_4:
0x39: {  	s22 =	sshllo.u32 s21, $0x1  }
0x3a: {  	p1 =	sge.u32 s22, s7  }
0x3b: {  	s22 =	sadd.s32 @!p1 s6, s22  }
0x3c: {  	s23 =	smul.u32 @!p1 $0x280, s22  }
0x3d: {  	s24 =	simm.s32 @!p1 $0x0  }
0x3e: {  	s25 =	simm.s32 @!p1 $0x19C00;
	s22 =	smul.u32 @!p1 $0x140, s22;
	s23 =	sadd.s32 @!p1 s0, s23  }
0x3f: {  	[tilespmem:s25], [sflag:$0x3] =	stream.linear.gather @!p1 [hbm4b:s23+s24], $0x1400, $0x38;
	[tilespmem:$0x1D038] =	vst v63  }
0x40: {  	s22 =	sadd.s32 @!p1 s1, s22;
	s23 =	simm.s32 @!p1 $0x1BA00  }
0x41: {  	[tilespmem:s23], [sflag:$0x3] =	stream.linear.gather @!p1 [hbm4b:s22+s24], $0xA00, $0x38;
	[tilespmem:$0x1D038] =	vst v63  }
0x42: {  	_ =	swait.ge [sflag:s16], $0x1400  }
0x43: {  	[sflag:s16] =	ssyncset.done $0x0  }
0x44: {  	[sflag:s16] =	ssyncadd.s32 $0xFFFFEC00  }
0x45: {  	_ =	swait.ge [sflag:s16], $0xA00  }
0x46: {  	[sflag:s16] =	ssyncset.done $0x0  }
0x47: {  	s29 =	simm.s32 $0x1B040;
	[sflag:s16] =	ssyncadd.s32 $0xFFFFF600  }
0x48: {  	v1 =	vld [tilespmem:s29+$0xFFFFFFC0];
	_ =	sdelay $0x2  }
0x49: {  	v4 =	vld [tilespmem:s29+$0xFFFFFFD0]  }
0x4a: {  	v5 =	vld [tilespmem:s29+$0xFFFFFFE0]  }
0x4b: {  	v6 =	vld [tilespmem:s29+$0x0];
	v2 =	vadd.f32 $-8.000000000e+00, v1  }
0x4c: {  	v7 =	vld [tilespmem:s29+$0xFFFFFFF0]  }
0x4d: {  	v10 =	vld [tilespmem:s29+$0x30];
	v2 =	vmul.f32 $1.570796370e+00, v2  }
0x4e: {  	v15 =	vld [tilespmem:s29+$0x20]  }
0x4f: {  	v3 =	vld [tilespmem:s29+$0x10];
	(erf) = vrcp.f32 v1;
	v2 =	vmax.f32 v2, $0.0e+00  }
0x50: {  	v1 =	vadd.f32 $-8.000000000e+00, v4;
	v9 =	vadd.f32 $-8.000000000e+00, v5;
	v2 =	vmin.f32 v2, $3.141592740e+00  }
0x51: {  	v11 =	vadd.f32 $-8.000000000e+00, v7;
	(erf) = vrcp.f32 v4;
	v2 =	vadd.f32 $-1.570796370e+00, v2  }
0x52: {  	v12 =	vadd.f32 $-8.000000000e+00, v10;
	v1 =	vmul.f32 $1.570796370e+00, v1;
	(erf) = vrcp.f32 v6  }
0x53: {  	v17 =	vadd.f32 $-8.000000000e+00, v15;
	v9 =	vmul.f32 $1.570796370e+00, v9;
	v8 =	vmul.f32 v2, v2  }
0x54: {  	v4 =	vadd.f32 $-8.000000000e+00, v3;
	v11 =	vmul.f32 $1.570796370e+00, v11;
	v12 =	vmul.f32 $1.570796370e+00, v12  }
0x55: {  	(erf) = vrcp.f32 v7;
	v7 =	vmul.f32 $7.142681280e-04, v8  }
0x56: {  	v6 =	vadd.f32 $-8.000000000e+00, v6;
	v17 =	vmul.f32 $1.570796370e+00, v17;
	v4 =	vmul.f32 $1.570796370e+00, v4  }
0x57: {  	s30 =	simm.s32 $0x18880;
	v1 =	vmax.f32 v1, $0.0e+00;
	(erf) = vrcp.f32 v5;
	v7 =	vsub.f32 $2.999926170e-02, v7  }
0x58: {  	v5 =	vmax.f32 v9, $0.0e+00;
	v9 =	vld [tilespmem:s30+$0xFFFFFF80];
	v17 =	vmax.f32 v17, $0.0e+00;
	v4 =	vmax.f32 v4, $0.0e+00  }
0x59: {  	v6 =	vmul.f32 $1.570796370e+00, v6;
	v4 =	vmin.f32 v4, $3.141592740e+00;
	v7 =	vmul.f32 v7, v8  }
0x5a: {  	v1 =	vmin.f32 v1, $3.141592740e+00;
	v5 =	vmin.f32 v5, $3.141592740e+00;
	v4 =	vadd.f32 $-1.570796370e+00, v4  }
0x5b: {  	v18 =	vld [tilespmem:s30+$0x70];
	(erf) = vrcp.f32 v10;
	v5 =	vadd.f32 $-1.570796370e+00, v5;
	v14 =	vadd.f32 $-5.999852420e-01, v7  }
0x5c: {  	v10 =	vld [tilespmem:s30+$0x0];
	v6 =	vmax.f32 v6, $0.0e+00;
	(erf) = vrcp.f32 v15;
	v13 =	vmul.f32 v4, v4  }
0x5d: {  	v26 =	vld [tilespmem:s30+$0x10];
	v16 =	vmul.f32 v5, v5;
	v7 =	vadd.f32 $-1.570796370e+00, v1;
	v8 =	vmul.f32 v14, v8  }
0x5e: {  	v28 =	vld [tilespmem:s30+$0x50];
	v1 =	vmax.f32 v11, $0.0e+00;
	v11 =	vmax.f32 v12, $0.0e+00;
	v14 =	vmul.f32 $7.142681280e-04, v13  }
0x5f: {  	s31 =	simm.s32 $0x1B0C0;
	v32 =	vld [tilespmem:s30+$0x30];
	v6 =	vmin.f32 v6, $3.141592740e+00;
	v11 =	vmin.f32 v11, $3.141592740e+00;
	v8 =	vadd.f32 $3.599911450e+00, v8  }
0x60: {  	v21 =	vld.idx.msk [tilespmem:v9+s5+$0x0], $0xffff;
	v12 =	vmul.f32 $7.142681280e-04, v16;
	v11 =	vadd.f32 $-1.570796370e+00, v11;
	v14 =	vsub.f32 $2.999926170e-02, v14  }
0x61: {  	v35 =	vld [tilespmem:s31+$0xFFFFFFE0];
	v19 =	vmin.f32 v1, $3.141592740e+00;
	v20 =	vmul.f32 v7, v7;
	v2 =	vmul.f32 v8, v2  }
0x62: {  	v1 =	vld [tilespmem:s30+$0xFFFFFF90];
	v19 =	vadd.f32 $-1.570796370e+00, v19;
	v24 =	vmul.f32 v11, v11;
	v14 =	vmul.f32 v14, v13  }
0x63: {  	v22 =	vsub.f32 $2.999926170e-02, v12;
	v23 =	vmul.f32 $7.142681280e-04, v20;
	v2 =	vsub.f32 $3.599911450e+00, v2  }
0x64: {  	v25 =	vld.idx.msk [tilespmem:v10+s5+$0x0], $0xffff;
	v27 =	vmul.f32 v19, v19;
	v10 =	vmul.f32 $7.142681280e-04, v24;
	v14 =	vadd.f32 $-5.999852420e-01, v14  }
0x65: {  	v12 =	vld [tilespmem:s30+$0xFFFFFFD0];
	v23 =	vsub.f32 $2.999926170e-02, v23;
	v2 =	vmul.f32 v2, v21;
	v21 =	vmul.f32 v22, v16  }
0x66: {  	v8 =	vld [tilespmem:s30+$0xFFFFFFA0];
	v22 =	vsub.f32 $2.999926170e-02, v10;
	v29 =	vmul.f32 v14, v13;
	v14 =	vmin.f32 v17, $3.141592740e+00  }
0x67: {  	v15 =	vld [tilespmem:s31+$0xFFFFFFD0];
	v30 =	vmul.f32 $7.142681280e-04, v27;
	v31 =	vadd.f32 $-1.570796370e+00, v14;
	v14 =	vadd.f32 $-1.570796370e+00, v6  }
0x68: {  	v56 =	vld [tilespmem:s30+$0x40];
	v23 =	vmul.f32 v23, v20;
	v21 =	vadd.f32 $-5.999852420e-01, v21;
	v17 =	vmul.f32 v22, v24  }
0x69: {  	v13 =	vld [tilespmem:s30+$0xFFFFFFF0];
	v25 =	vmul.f32 v2, v25;
	v29 =	vadd.f32 $3.599911450e+00, v29;
	v33 =	vmul.f32 v14, v14  }
0x6a: {  	v43 =	vld.idx.msk [tilespmem:v1+s5+$0x0], $0xffff;
	v2 =	vmul.f32 v21, v16;
	v6 =	vadd.f32 $-5.999852420e-01, v17;
	v17 =	vsub.f32 $2.999926170e-02, v30  }
0x6b: {  	v54 =	vpop (erf);
	v10 =	vld [tilespmem:s30+$0xFFFFFFB0];
	v21 =	vadd.f32 $-5.999852420e-01, v23;
	v23 =	vmul.f32 v31, v31;
	v4 =	vmul.f32 v29, v4  }
0x6c: {  	v55 =	vadd.f32 $-8.000000000e+00, v15;
	v22 =	vld [tilespmem:s30+$0x20];
	v25 =	vmul.f32 v25, v54;
	v6 =	vmul.f32 v6, v24  }
0x6d: {  	v16 =	vld.idx.msk [tilespmem:v12+s5+$0x0], $0xffff;
	v2 =	vadd.f32 $3.599911450e+00, v2;
	v17 =	vmul.f32 v17, v27;
	v34 =	vmul.f32 $7.142681280e-04, v23  }
0x6e: {  	v30 =	vld.idx.msk [tilespmem:v8+s5+$0x0], $0xffff;
	v20 =	vmul.f32 v21, v20;
	v21 =	vmul.f32 $7.142681280e-04, v33;
	v4 =	vsub.f32 $3.599911450e+00, v4  }
0x6f: {  	[tilespmem:v9+s17+$0x0] =	vst.idx.add.f32.msk $0xffff, v25;
	v2 =	vmul.f32 v2, v5;
	v5 =	vadd.f32 $3.599911450e+00, v6;
	v34 =	vsub.f32 $2.999926170e-02, v34  }
0x70: {  	v6 =	vld [tilespmem:s31+$0xFFFFFFC0];
	v17 =	vadd.f32 $-5.999852420e-01, v17;
	v37 =	vadd.f32 $3.599911450e+00, v20  }
0x71: {  	v29 =	vld.idx.msk [tilespmem:v13+s5+$0x0], $0xffff;
	v5 =	vmul.f32 v5, v11;
	v11 =	vsub.f32 $2.999926170e-02, v21;
	v21 =	vmul.f32 v34, v23  }
0x72: {  	v25 =	vadd.f32 $-8.000000000e+00, v35;
	v20 =	vld [tilespmem:s31+$0x0];
	v36 =	vsub.f32 $3.599911450e+00, v2;
	v17 =	vmul.f32 v17, v27  }
0x73: {  	v24 =	vld [tilespmem:s31+$0xFFFFFFF0];
	v4 =	vmul.f32 v4, v16;
	v7 =	vmul.f32 v37, v7;
	v21 =	vadd.f32 $-5.999852420e-01, v21  }
0x74: {  	v2 =	vld [tilespmem:s31+$0x10];
	v30 =	vmul.f32 v36, v30;
	v5 =	vsub.f32 $3.599911450e+00, v5;
	v27 =	vadd.f32 $3.599911450e+00, v17  }
0x75: {  	v22 =	vld.idx.msk [tilespmem:v22+s5+$0x0], $0xffff;
	v11 =	vmul.f32 v11, v33;
	v7 =	vsub.f32 $3.599911450e+00, v7;
	(erf) = vrcp.f32 v6  }
0x76: {  	v58 =	vld [tilespmem:s31+$0x30];
	v6 =	vadd.f32 $-8.000000000e+00, v6;
	(erf) = vrcp.f32 v15;
	v9 =	vmul.f32 v21, v23  }
0x77: {  	v18 =	vld.idx.msk [tilespmem:v18+s5+$0x0], $0xffff;
	v36 =	vadd.f32 $-8.000000000e+00, v20;
	v15 =	vmul.f32 v27, v19;
	v23 =	vmul.f32 v5, v29  }
0x78: {  	s22 =	simm.s32 $0x18980;
	v26 =	vld.idx.msk [tilespmem:v26+s5+$0x0], $0xffff;
	v19 =	vadd.f32 $-8.000000000e+00, v24;
	v5 =	vmul.f32 $1.570796370e+00, v55;
	v49 =	vmul.f32 v7, v43  }
0x79: {  	v62 =	vld [tilespmem:s22+$0x0];
	v11 =	vadd.f32 $-5.999852420e-01, v11;
	(erf) = vrcp.f32 v3;
	v57 =	vmul.f32 $1.570796370e+00, v6  }
0x7a: {  	v17 =	vld [tilespmem:s30+$0xFFFFFFE0];
	v3 =	vadd.f32 $-8.000000000e+00, v2;
	v22 =	vmul.f32 v30, v22;
	v36 =	vmul.f32 $1.570796370e+00, v36  }
0x7b: {  	v27 =	vld.idx.msk [tilespmem:v28+s5+$0x0], $0xffff;
	(erf) = vrcp.f32 v20;
	v5 =	vmax.f32 v5, $0.0e+00;
	v33 =	vmul.f32 v11, v33  }
0x7c: {  	v29 =	vld [tilespmem:s30+$0x60];
	v9 =	vadd.f32 $3.599911450e+00, v9;
	(erf) = vrcp.f32 v24;
	v24 =	vmul.f32 $1.570796370e+00, v25  }
0x7d: {  	v21 =	vld.idx.msk [tilespmem:v10+s5+$0x0], $0xffff;
	v40 =	vsub.f32 $3.599911450e+00, v15;
	v18 =	vmul.f32 v23, v18;
	v46 =	vmul.f32 v49, v26;
	v25 =	vpop (erf)  }
0x7e: {  	v32 =	vld.idx.msk [tilespmem:v32+s5+$0x0], $0xffff;
	v3 =	vmul.f32 $1.570796370e+00, v3;
	v28 =	vmin.f32 v5, $3.141592740e+00;
	v20 =	vmax.f32 v57, $0.0e+00;
	v5 =	vpop (erf)  }
0x7f: {  	v34 =	vld.idx.msk [tilespmem:v56+s5+$0x0], $0xffff;
	(erf) = vrcp.f32 v35;
	v11 =	vmin.f32 v20, $3.141592740e+00;
	v20 =	vmul.f32 v9, v31;
	v39 =	vpop (erf)  }
0x80: {  	v7 =	vld [tilespmem:s22+$0xFFFFFFA0];
	v3 =	vmax.f32 v3, $0.0e+00;
	v16 =	vmax.f32 v24, $0.0e+00;
	v42 =	vadd.f32 $-1.570796370e+00, v11;
	v24 =	vpop (erf)  }
0x81: {  	v6 =	vld [tilespmem:s30+$0xFFFFFFC0];
	v33 =	vadd.f32 $3.599911450e+00, v33;
	v23 =	vmul.f32 v4, v27;
	v3 =	vmin.f32 v3, $3.141592740e+00;
	v41 =	vpop (erf)  }
0x82: {  	v9 =	vld [tilespmem:s22+$0xFFFFFF80];
	v35 =	vadd.f32 $-8.000000000e+00, v58;
	v21 =	vmul.f32 v40, v21;
	v59 =	vmul.f32 v42, v42;
	v31 =	vpop (erf)  }
0x83: {  	v4 =	vadd.f32 $-1.570796370e+00, v28;
	v38 =	vld.idx.msk [tilespmem:v17+s5+$0x0], $0xffff;
	v16 =	vmin.f32 v16, $3.141592740e+00;
	(erf) = vrcp.f32 v58;
	v11 =	vpop (erf)  }
0x84: {  	v15 =	vadd.f32 $-1.570796370e+00, v3;
	v29 =	vld.idx.msk [tilespmem:v29+s5+$0x0], $0xffff;
	v22 =	vmul.f32 v22, v24;
	v60 =	vmul.f32 $7.142681280e-04, v59;
	v3 =	vpop (erf)  }
0x85: {  	v35 =	vmul.f32 $1.570796370e+00, v35;
	v44 =	vmul.f32 v18, v41;
	v18 =	vsub.f32 $3.599911450e+00, v20;
	v20 =	vld [tilespmem:s31+$0x20];
	v27 =	vpop (erf)  }
0x86: {  	v14 =	vmul.f32 v33, v14;
	[tilespmem:v8+s17+$0x0] =	vst.idx.add.f32.msk $0xffff, v22;
	v61 =	vsub.f32 $2.999926170e-02, v60;
	v27 =	vmul.f32 v23, v27  }
0x87: {  	v35 =	vmax.f32 v35, $0.0e+00;
	v28 =	vmul.f32 v15, v15;
	v8 =	vmul.f32 v21, v32;
	v21 =	vld [tilespmem:s22+$0x50]  }
0x88: {  	v50 =	vsub.f32 $3.599911450e+00, v14;
	v38 =	vmul.f32 v18, v38;
	[tilespmem:v12+s17+$0x0] =	vst.idx.add.f32.msk $0xffff, v27;
	v12 =	vmul.f32 v61, v59  }
0x89: {  	v35 =	vmin.f32 v35, $3.141592740e+00;
	v45 =	vmul.f32 $7.142681280e-04, v28;
	[tilespmem:v13+s17+$0x0] =	vst.idx.add.f32.msk $0xffff, v44;
	v44 =	vmul.f32 v46, v25  }
0x8a: {  	v18 =	vld [tilespmem:s22+$0xFFFFFF90];
	v26 =	vmul.f32 v8, v39;
	v23 =	vadd.f32 $-1.570796370e+00, v16;
	v24 =	vadd.f32 $-5.999852420e-01, v12  }
0x8b: {  	v51 =	vld.idx.msk [tilespmem:v9+s5+$0x0], $0xffff;
	v16 =	vmul.f32 $1.570796370e+00, v19;
	v48 =	vmul.f32 v38, v29;
	v55 =	vsub.f32 $2.999926170e-02, v45  }
0x8c: {  	v8 =	vld [tilespmem:s22+$0xFFFFFFB0];
	v22 =	vadd.f32 $-8.000000000e+00, v20;
	v27 =	vmul.f32 v23, v23;
	v29 =	vmul.f32 v24, v59  }
0x8d: {  	v19 =	vld.idx.msk [tilespmem:v6+s5+$0x0], $0xffff;
	v30 =	vmax.f32 v16, $0.0e+00;
	v31 =	vmul.f32 v48, v31;
	v39 =	vmul.f32 v55, v28  }
0x8e: {  	[tilespmem:v10+s17+$0x0] =	vst.idx.add.f32.msk $0xffff, v26;
	v22 =	vmul.f32 $1.570796370e+00, v22;
	v63 =	vmul.f32 $7.142681280e-04, v27;
	v14 =	vadd.f32 $3.599911450e+00, v29  }
0x8f: {  	[tilespmem:v17+s17+$0x0] =	vst.idx.add.f32.msk $0xffff, v31;
	v17 =	vmax.f32 v36, $0.0e+00;
	v60 =	vadd.f32 $-5.999852420e-01, v39;
	v29 =	vadd.f32 $-1.570796370e+00, v35  }
0x90: {  	v22 =	vmax.f32 v22, $0.0e+00;
	v24 =	vmin.f32 v30, $3.141592740e+00;
	v53 =	vmul.f32 v14, v42;
	v14 =	vld [tilespmem:s22+$0xFFFFFFD0]  }
0x91: {  	v26 =	vld [tilespmem:s22+$0x20];
	v30 =	vmul.f32 v4, v4;
	v52 =	vsub.f32 $2.999926170e-02, v63;
	v37 =	vmul.f32 v29, v29  }
0x92: {  	v31 =	vld [tilespmem:s22+$0xFFFFFFF0];
	v59 =	vmul.f32 v50, v19;
	v63 =	vmin.f32 v17, $3.141592740e+00;
	v38 =	vmul.f32 v60, v28  }
0x93: {  	v56 =	vld.idx.msk [tilespmem:v62+s5+$0x0], $0xffff;
	v28 =	vmin.f32 v22, $3.141592740e+00;
	v24 =	vadd.f32 $-1.570796370e+00, v24;
	v58 =	vmul.f32 $7.142681280e-04, v37  }
0x94: {  	v22 =	vadd.f32 $-1.570796370e+00, v63;
	v54 =	vmul.f32 $7.142681280e-04, v30;
	v57 =	vsub.f32 $3.599911450e+00, v53  }
0x95: {  	v16 =	vld [tilespmem:s22+$0x70];
	v19 =	vpop (erf);
	v61 =	vmul.f32 v52, v27;
	v33 =	vmul.f32 v24, v24;
	v62 =	vsub.f32 $2.999926170e-02, v58  }
0x96: {  	v12 =	vld [tilespmem:s22+$0x10];
	v10 =	vpop (erf);
	v39 =	vmul.f32 v59, v34;
	v35 =	vsub.f32 $2.999926170e-02, v54;
	v47 =	vmul.f32 v57, v51  }
0x97: {  	s26 =	simm.s32 $0x1B140;
	v13 =	vpop (erf);
	v34 =	vld [tilespmem:s22+$0x30];
	v42 =	vadd.f32 $-5.999852420e-01, v61;
	v41 =	vmul.f32 $7.142681280e-04, v33;
	v43 =	vmul.f32 v62, v37  }
0x98: {  	s25 =	simm.s32 $0x80;
	s23 =	sshll.u32 s21, $0x1;
	s24 =	simm.s32 $0x18980;
	v28 =	vadd.f32 $-1.570796370e+00, v28;
	v17 =	vpop (erf);
	v40 =	vmul.f32 v35, v30;
	v36 =	vmul.f32 v47, v56;
	v32 =	vld.idx.msk [tilespmem:v14+s5+$0x0], $0xffff  }
.LBB2_5:
0x99: {  	s25 =	sadd.s32 $0x80, s25;
	v35 =	vld.idx.msk [tilespmem:v7+s5+$0x0], $0xffff;
	v27 =	vmul.f32 v42, v27;
	v41 =	vsub.f32 $2.999926170e-02, v41;
	v42 =	vadd.f32 $-5.999852420e-01, v43;
	s22 =	sadd.s32 $0x100, s22;
	v25 =	vmovc v31  }
0x9a: {  	v31 =	vadd.f32 $-5.999852420e-01, v40;
	p2 =	slt.u32 s25, $0x980;
	v40 =	vmul.f32 v22, v22;
	v43 =	vmul.f32 v28, v28;
	[tilespmem:v1+s17+$0x0] =	vst.idx.add.f32.msk $0xffff, v44  }
0x9b: {  	v1 =	vmovc v18;
	v44 =	vld [tilespmem:s26+$0xFFFFFFF0];
	v27 =	vadd.f32 $3.599911450e+00, v27;
	v41 =	vmul.f32 v41, v33;
	v37 =	vmul.f32 v42, v37  }
0x9c: {  	v38 =	vadd.f32 $3.599911450e+00, v38;
	v39 =	vmul.f32 v39, v5;
	v5 =	vmovc v19;
	v18 =	vld [tilespmem:s26+$0xFFFFFFE0];
	v42 =	vmul.f32 $7.142681280e-04, v43  }
0x9d: {  	v30 =	vmul.f32 v31, v30;
	v19 =	vld [tilespmem:s26+$0xFFFFFFC0];
	v23 =	vmul.f32 v27, v23;
	v27 =	vadd.f32 $3.599911450e+00, v37  }
0x9e: {  	v31 =	vmul.f32 $7.142681280e-04, v40;
	v37 =	vsub.f32 $2.999926170e-02, v42;
	(erf) = vrcp.f32 v20;
	[tilespmem:v6+s17+$0x0] =	vst.idx.add.f32.msk $0xffff, v39  }
0x9f: {  	v6 =	vld [tilespmem:s26+$0xFFFFFFD0];
	v20 =	vsub.f32 $3.599911450e+00, v23;
	v23 =	vadd.f32 $-5.999852420e-01, v41;
	v27 =	vmul.f32 v27, v29  }
0xa0: {  	v15 =	vmul.f32 v38, v15;
	v29 =	vsub.f32 $2.999926170e-02, v31;
	v31 =	vmul.f32 v37, v43;
	v37 =	vld.idx.msk [tilespmem:v25+s5+$0x0], $0xffff  }
0xa1: {  	v30 =	vadd.f32 $3.599911450e+00, v30;
	v38 =	vld [tilespmem:s26+$0x10];
	v39 =	vmul.f32 v20, v35;
	v20 =	vmul.f32 v23, v33  }
0xa2: {  	v11 =	vmul.f32 v36, v11;
	v27 =	vsub.f32 $3.599911450e+00, v27;
	v23 =	vld [tilespmem:s26+$0x0];
	v33 =	vadd.f32 $-5.999852420e-01, v31  }
0xa3: {  	v29 =	vmul.f32 v29, v40;
	(erf) = vrcp.f32 v19;
	v20 =	vadd.f32 $3.599911450e+00, v20;
	v31 =	vld [tilespmem:s24+$0xFFFFFFE0]  }
0xa4: {  	v35 =	vadd.f32 $-8.000000000e+00, v6;
	(erf) = vrcp.f32 v6;
	[tilespmem:v9+s17+$0x0] =	vst.idx.add.f32.msk $0xffff, v11;
	v9 =	vmul.f32 v33, v43  }
0xa5: {  	v6 =	vsub.f32 $3.599911450e+00, v15;
	v36 =	vld.idx.msk [tilespmem:v8+s5+$0x0], $0xffff;
	v20 =	vmul.f32 v20, v24;
	(erf) = vrcp.f32 v2  }
0xa6: {  	v24 =	vadd.f32 $-8.000000000e+00, v44;
	v15 =	vmul.f32 v27, v37;
	v11 =	vadd.f32 $-8.000000000e+00, v38;
	v34 =	vld.idx.msk [tilespmem:v34+s5+$0x0], $0xffff;
	v2 =	vmovc v38  }
0xa7: {  	v27 =	vmul.f32 $1.570796370e+00, v35;
	v35 =	vadd.f32 $-8.000000000e+00, v18;
	(erf) = vrcp.f32 v23;
	v37 =	vld [tilespmem:s24+$0x40];
	v33 =	vpop (erf)  }
0xa8: {  	v29 =	vadd.f32 $-5.999852420e-01, v29;
	v11 =	vmul.f32 $1.570796370e+00, v11;
	(erf) = vrcp.f32 v44;
	v16 =	vld.idx.msk [tilespmem:v16+s5+$0x0], $0xffff  }
0xa9: {  	v19 =	vadd.f32 $-8.000000000e+00, v19;
	v27 =	vmax.f32 v27, $0.0e+00;
	v35 =	vmul.f32 $1.570796370e+00, v35;
	v21 =	vld.idx.msk [tilespmem:v21+s5+$0x0], $0xffff  }
0xaa: {  	v27 =	vmin.f32 v27, $3.141592740e+00;
	v43 =	vmax.f32 v11, $0.0e+00;
	(erf) = vrcp.f32 v18;
	v18 =	vld [tilespmem:s24+$0x60]  }
0xab: {  	v19 =	vmul.f32 $1.570796370e+00, v19;
	v38 =	vadd.f32 $-8.000000000e+00, v23;
	v23 =	vmul.f32 v6, v32;
	v32 =	vld.idx.msk [tilespmem:v31+s5+$0x0], $0xffff  }
0xac: {  	v9 =	vadd.f32 $3.599911450e+00, v9;
	v41 =	vmax.f32 v35, $0.0e+00;
	v42 =	vmin.f32 v43, $3.141592740e+00;
	v11 =	vpop (erf);
	v6 =	vld [tilespmem:s24+$0xFFFFFFC0];
	s24 =	smov.u32 s22  }
0xad: {  	v29 =	vmul.f32 v29, v40;
	v19 =	vmax.f32 v19, $0.0e+00;
	v20 =	vsub.f32 $3.599911450e+00, v20;
	v43 =	vld [tilespmem:s26+$0x30];
	v35 =	vpop (erf)  }
0xae: {  	v46 =	vmin.f32 v19, $3.141592740e+00;
	v28 =	vmul.f32 v9, v28;
	v16 =	vmul.f32 v15, v16;
	v26 =	vld.idx.msk [tilespmem:v26+s5+$0x0], $0xffff;
	v40 =	vpop (erf)  }
0xaf: {  	v44 =	vadd.f32 $-1.570796370e+00, v46;
	v41 =	vmin.f32 v41, $3.141592740e+00;
	v21 =	vmul.f32 v23, v21;
	v45 =	vld.idx.msk [tilespmem:v1+s5+$0x0], $0xffff  }
0xb0: {  	v29 =	vadd.f32 $3.599911450e+00, v29;
	v15 =	vadd.f32 $-1.570796370e+00, v42;
	v46 =	vmul.f32 v16, v17;
	v9 =	vld [tilespmem:s22+$0xFFFFFF80];
	v19 =	vpop (erf)  }
0xb1: {  	v28 =	vsub.f32 $3.599911450e+00, v28;
	v17 =	vmul.f32 v44, v44;
	v42 =	vpop (erf);
	v47 =	vld.idx.msk [tilespmem:v12+s5+$0x0], $0xffff;
	v12 =	vmul.f32 v20, v36  }
0xb2: {  	v48 =	vmul.f32 v15, v15;
	v36 =	vadd.f32 $-1.570796370e+00, v27;
	(erf) = vrcp.f32 v43;
	v49 =	vld.idx.msk [tilespmem:v18+s5+$0x0], $0xffff  }
0xb3: {  	v21 =	vmul.f32 v21, v40;
	v16 =	vmul.f32 $7.142681280e-04, v17;
	v18 =	vadd.f32 $-8.000000000e+00, v43;
	v20 =	vld [tilespmem:s26+$0x20];
	v43 =	vpop (erf)  }
0xb4: {  	v30 =	vmul.f32 v30, v4;
	v24 =	vmul.f32 $1.570796370e+00, v24;
	v23 =	vadd.f32 $-1.570796370e+00, v41;
	v4 =	vmovc v36;
	v40 =	vld.idx.msk [tilespmem:v6+s5+$0x0], $0xffff  }
0xb5: {  	v41 =	vsub.f32 $2.999926170e-02, v16;
	v26 =	vmul.f32 v39, v26;
	v50 =	vmul.f32 $1.570796370e+00, v18;
	[tilespmem:v14+s17+$0x0] =	vst.idx.add.f32.msk $0xffff, v21  }
0xb6: {  	v27 =	vmul.f32 v23, v23;
	v14 =	vmax.f32 v24, $0.0e+00;
	v21 =	vmul.f32 v28, v32;
	v16 =	vld [tilespmem:s22+$0x70]  }
0xb7: {  	v24 =	vmul.f32 v41, v17;
	v26 =	vmul.f32 v26, v13;
	v13 =	vmovc v43;
	v28 =	vmax.f32 v50, $0.0e+00;
	v18 =	vld [tilespmem:s22+$0xFFFFFF90]  }
0xb8: {  	v30 =	vsub.f32 $3.599911450e+00, v30;
	v39 =	vmul.f32 $7.142681280e-04, v27;
	v28 =	vmin.f32 v28, $3.141592740e+00;
	v32 =	vld [tilespmem:s22+$0x0]  }
0xb9: {  	v41 =	vmul.f32 $7.142681280e-04, v48;
	v24 =	vadd.f32 $-5.999852420e-01, v24;
	[tilespmem:v7+s17+$0x0] =	vst.idx.add.f32.msk $0xffff, v26;
	v26 =	vmul.f32 v12, v34  }
0xba: {  	v22 =	vmul.f32 v29, v22;
	v43 =	vmul.f32 v21, v49;
	v34 =	vadd.f32 $-8.000000000e+00, v20;
	v12 =	vld [tilespmem:s22+$0x10]  }
0xbb: {  	v45 =	vmul.f32 v30, v45;
	v14 =	vmin.f32 v14, $3.141592740e+00;
	v29 =	vmul.f32 v24, v17;
	v21 =	vld [tilespmem:s22+$0x50];
	v17 =	vpop (erf)  }
0xbc: {  	v22 =	vsub.f32 $3.599911450e+00, v22;
	v30 =	vmul.f32 v36, v4;
	v24 =	vadd.f32 $-1.570796370e+00, v14;
	v7 =	vld [tilespmem:s22+$0xFFFFFFA0]  }
0xbd: {  	v39 =	vsub.f32 $2.999926170e-02, v39;
	v45 =	vmul.f32 v45, v47;
	v14 =	vadd.f32 $3.599911450e+00, v29;
	v36 =	vld.idx.msk [tilespmem:v9+s5+$0x0], $0xffff  }
0xbe: {  	v34 =	vmul.f32 $1.570796370e+00, v34;
	v29 =	vadd.f32 $-1.570796370e+00, v28;
	v26 =	vmul.f32 v26, v10;
	v10 =	vmovc v42;
	v28 =	vld.idx.msk [tilespmem:v37+s5+$0x0], $0xffff  }
0xbf: {  	v41 =	vsub.f32 $2.999926170e-02, v41;
	v42 =	vmul.f32 v14, v44;
	v44 =	vmul.f32 $7.142681280e-04, v30;
	v14 =	vld [tilespmem:s22+$0xFFFFFFD0]  }
0xc0: {  	v33 =	vmul.f32 v43, v33;
	v49 =	vmax.f32 v34, $0.0e+00;
	v37 =	vmul.f32 v29, v29;
	v47 =	vld [tilespmem:s22+$0xFFFFFFB0]  }
0xc1: {  	v38 =	vmul.f32 $1.570796370e+00, v38;
	v41 =	vmul.f32 v41, v48;
	v34 =	vsub.f32 $3.599911450e+00, v42;
	v32 =	vld.idx.msk [tilespmem:v32+s5+$0x0], $0xffff  }
0xc2: {  	v22 =	vmul.f32 v22, v40;
	v42 =	vsub.f32 $2.999926170e-02, v44;
	v43 =	vmul.f32 $7.142681280e-04, v37;
	[tilespmem:v31+s17+$0x0] =	vst.idx.add.f32.msk $0xffff, v33  }
0xc3: {  	v38 =	vmax.f32 v38, $0.0e+00;
	v41 =	vadd.f32 $-5.999852420e-01, v41;
	v33 =	vmul.f32 v24, v24;
	[tilespmem:v8+s17+$0x0] =	vst.idx.add.f32.msk $0xffff, v26  }
.Ltmp5:
0xc4: {  	v34 =	vmul.f32 v34, v36;
	v36 =	vmul.f32 v39, v27;
	v43 =	vsub.f32 $2.999926170e-02, v43;
	v31 =	vld [tilespmem:s22+$0xFFFFFFF0];
	(pc) =	sbr.rel @p2 .LBB2_5-.Ltmp5, $4  }
0xc5: {  	v44 =	vmin.f32 v38, $3.141592740e+00;
	v38 =	vmul.f32 v41, v48;
	v40 =	vmul.f32 v42, v30;
	v26 =	vld [tilespmem:s22+$0x20];
	v8 =	vmovc v47  }
0xc6: {  	v39 =	vmul.f32 v22, v28;
	v42 =	vadd.f32 $-5.999852420e-01, v36;
	v41 =	vmul.f32 $7.142681280e-04, v33;
	[tilespmem:v25+s17+$0x0] =	vst.idx.add.f32.msk $0xffff, v46  }
0xc7: {  	v43 =	vmul.f32 v43, v37;
	v36 =	vmul.f32 v34, v32;
	v25 =	vmin.f32 v49, $3.141592740e+00;
	v34 =	vld [tilespmem:s22+$0x30]  }
0xc8: {  	s26 =	sadd.s32 $0x80, s26;
	v22 =	vadd.f32 $-1.570796370e+00, v44;
	v44 =	vmul.f32 v45, v3;
	v3 =	vmovc v35;
	v28 =	vadd.f32 $-1.570796370e+00, v25;
	v32 =	vld.idx.msk [tilespmem:v14+s5+$0x0], $0xffff  }
0xc9: {  	_ =	sdelay $0x2  }
0xca: {  	v27 =	vmul.f32 v42, v27  }
0xcb: {  	v35 =	vadd.f32 $-5.999852420e-01, v43;
	v54 =	vld.idx.msk [tilespmem:v7+s5+$0x0], $0xffff;
	v5 =	vmul.f32 v39, v5;
	(erf) = vrcp.f32 v20  }
0xcc: {  	v41 =	vsub.f32 $2.999926170e-02, v41;
	v58 =	vld.idx.msk [tilespmem:v31+s5+$0x0], $0xffff;
	v11 =	vmul.f32 v36, v11;
	v25 =	vmul.f32 v28, v28  }
0xcd: {  	v40 =	vadd.f32 $-5.999852420e-01, v40;
	[tilespmem:v1+s17+$0x0] =	vst.idx.add.f32.msk $0xffff, v44;
	v1 =	vmul.f32 v22, v22;
	(erf) = vrcp.f32 v2  }
0xce: {  	v38 =	vadd.f32 $3.599911450e+00, v38;
	v61 =	vld.idx.msk [tilespmem:v8+s5+$0x0], $0xffff;
	v35 =	vmul.f32 v35, v37;
	v55 =	vmul.f32 $7.142681280e-04, v25  }
0xcf: {  	v47 =	vld [tilespmem:s24+$0x40];
	v27 =	vadd.f32 $3.599911450e+00, v27;
	v56 =	vmul.f32 v41, v33;
	v60 =	vmul.f32 $7.142681280e-04, v1  }
0xd0: {  	v21 =	vld.idx.msk [tilespmem:v21+s5+$0x0], $0xffff;
	v30 =	vmul.f32 v40, v30;
	v15 =	vmul.f32 v38, v15;
	v57 =	vsub.f32 $2.999926170e-02, v55  }
0xd1: {  	v23 =	vmul.f32 v27, v23;
	v59 =	vadd.f32 $3.599911450e+00, v35;
	v35 =	vld [tilespmem:s24+$0xFFFFFFE0];
	v45 =	vsub.f32 $2.999926170e-02, v60  }
0xd2: {  	v2 =	vld [tilespmem:s24+$0xFFFFFFC0];
	v37 =	vadd.f32 $-5.999852420e-01, v56;
	v15 =	vsub.f32 $3.599911450e+00, v15;
	v39 =	vmul.f32 v57, v25  }
0xd3: {  	v44 =	vld [tilespmem:s24+$0x60];
	v50 =	vadd.f32 $3.599911450e+00, v30;
	v63 =	vmul.f32 v59, v29;
	v29 =	vmul.f32 v45, v1  }
0xd4: {  	v26 =	vld.idx.msk [tilespmem:v26+s5+$0x0], $0xffff;
	v62 =	vsub.f32 $3.599911450e+00, v23;
	v48 =	vmul.f32 v37, v33;
	v46 =	vadd.f32 $-5.999852420e-01, v39  }
0xd5: {  	v52 =	vld.idx.msk [tilespmem:v18+s5+$0x0], $0xffff;
	v15 =	vmul.f32 v15, v32;
	v4 =	vmul.f32 v50, v4;
	v29 =	vadd.f32 $-5.999852420e-01, v29  }
0xd6: {  	v16 =	vld.idx.msk [tilespmem:v16+s5+$0x0], $0xffff;
	v20 =	vmul.f32 v62, v54;
	v23 =	vsub.f32 $3.599911450e+00, v63;
	v25 =	vmul.f32 v46, v25  }
0xd7: {  	v12 =	vld.idx.msk [tilespmem:v12+s5+$0x0], $0xffff;
	v33 =	vadd.f32 $3.599911450e+00, v48;
	v15 =	vmul.f32 v15, v21;
	v1 =	vmul.f32 v29, v1  }
0xd8: {  	v34 =	vld.idx.msk [tilespmem:v34+s5+$0x0], $0xffff;
	v4 =	vsub.f32 $3.599911450e+00, v4;
	v23 =	vmul.f32 v23, v58;
	v25 =	vadd.f32 $3.599911450e+00, v25  }
0xd9: {  	v54 =	vpop (erf);
	v24 =	vmul.f32 v33, v24;
	v20 =	vmul.f32 v20, v26;
	v49 =	vld.idx.msk [tilespmem:v35+s5+$0x0], $0xffff;
	v1 =	vadd.f32 $3.599911450e+00, v1  }
0xda: {  	v55 =	vld.idx.msk [tilespmem:v2+s5+$0x0], $0xffff;
	v56 =	vpop (erf);
	v4 =	vmul.f32 v4, v52;
	v25 =	vmul.f32 v25, v28  }
0xdb: {  	v51 =	vld.idx.msk [tilespmem:v44+s5+$0x0], $0xffff;
	v15 =	vmul.f32 v15, v56;
	v24 =	vsub.f32 $3.599911450e+00, v24;
	v1 =	vmul.f32 v1, v22  }
0xdc: {  	v58 =	vld.idx.msk [tilespmem:v47+s5+$0x0], $0xffff;
	v16 =	vmul.f32 v23, v16;
	v59 =	vmul.f32 v20, v13;
	v53 =	vsub.f32 $3.599911450e+00, v25  }
0xdd: {  	[tilespmem:v6+s17+$0x0] =	vst.idx.add.f32.msk $0xffff, v5;
	v4 =	vmul.f32 v4, v12;
	v57 =	vmul.f32 v24, v61;
	v1 =	vsub.f32 $3.599911450e+00, v1  }
0xde: {  	[tilespmem:v9+s17+$0x0] =	vst.idx.add.f32.msk $0xffff, v11;
	v63 =	vmul.f32 v16, v17;
	v21 =	vmul.f32 v53, v49  }
0xdf: {  	[tilespmem:v14+s17+$0x0] =	vst.idx.add.f32.msk $0xffff, v15;
	v61 =	vmul.f32 v57, v34;
	v1 =	vmul.f32 v1, v55  }
0xe0: {  	s22 =	sadd.s32 $0x2, s23;
	[tilespmem:v7+s17+$0x0] =	vst.idx.add.f32.msk $0xffff, v59;
	v3 =	vmul.f32 v4, v3;
	v60 =	vmul.f32 v21, v51  }
0xe1: {  	p2 =	sge.u32 s22, s7;
	[tilespmem:v31+s17+$0x0] =	vst.idx.add.f32.msk $0xffff, v63;
	v62 =	vmul.f32 v61, v10;
	v1 =	vmul.f32 v1, v58  }
0xe2: {  	s22 =	sadd.s32 @!p2 s6, s22;
	[tilespmem:v18+s17+$0x0] =	vst.idx.add.f32.msk $0xffff, v3;
	v6 =	vmul.f32 v60, v54  }
0xe3: {  	s23 =	smul.u32 @!p2 $0x280, s22;
	[tilespmem:v8+s17+$0x0] =	vst.idx.add.f32.msk $0xffff, v62;
	v1 =	vmul.f32 v1, v19  }
.Ltmp6:
0xe4: {  	s25 =	simm.s32 @!p2 $0x18800;
	[tilespmem:v35+s17+$0x0] =	vst.idx.add.f32.msk $0xffff, v6;
	(pc) =	sbr.rel @p1 .LBB2_10-.Ltmp6, $4  }
0xe5: {  	s22 =	smul.u32 @!p2 $0x140, s22;
	s24 =	simm.s32 @!p2 $0x0;
	s23 =	sadd.s32 @!p2 s0, s23;
	[tilespmem:v2+s17+$0x0] =	vst.idx.add.f32.msk $0xffff, v1  }
0xe6: {  	[tilespmem:s25], [sflag:$0x2] =	stream.linear.gather @!p2 [hbm4b:s23+s24], $0x1400, $0x38;
	[tilespmem:$0x1D038] =	vst v63  }
0xe7: {  	s22 =	sadd.s32 @!p2 s1, s22;
	s23 =	simm.s32 @!p2 $0x1B000  }
0xe8: {  	[tilespmem:s23], [sflag:$0x2] =	stream.linear.gather @!p2 [hbm4b:s22+s24], $0xA00, $0x38;
	[tilespmem:$0x1D038] =	vst v63  }
0xe9: {  	_ =	swait.ge [sflag:s18], $0x1400  }
0xea: {  	[sflag:s18] =	ssyncset.done $0x0  }
0xeb: {  	[sflag:s18] =	ssyncadd.s32 $0xFFFFEC00  }
0xec: {  	_ =	swait.ge [sflag:s18], $0xA00  }
0xed: {  	[sflag:s18] =	ssyncset.done $0x0  }
0xee: {  	s22 =	simm.s32 $0x1BA70;
	[sflag:s18] =	ssyncadd.s32 $0xFFFFF600  }
0xef: {  	v1 =	vld [tilespmem:s22+$0xFFFFFF90]  }
0xf0: {  	v2 =	vld [tilespmem:s22+$0xFFFFFFE0]  }
0xf1: {  	v3 =	vld [tilespmem:s22+$0xFFFFFFD0]  }
0xf2: {  	v4 =	vld [tilespmem:s22+$0xFFFFFFA0];
	_ =	sdelay $0x1  }
0xf3: {  	v9 =	vld [tilespmem:s22+$0x0]  }
0xf4: {  	v6 =	vld [tilespmem:s22+$0xFFFFFFB0];
	v5 =	vadd.f32 $-8.000000000e+00, v1  }
0xf5: {  	v7 =	vld [tilespmem:s22+$0xFFFFFFC0];
	v8 =	vadd.f32 $-8.000000000e+00, v3;
	(erf) = vrcp.f32 v2;
	v2 =	vadd.f32 $-8.000000000e+00, v2  }
0xf6: {  	(erf) = vrcp.f32 v1;
	v1 =	vadd.f32 $-8.000000000e+00, v4;
	v5 =	vmul.f32 $1.570796370e+00, v5  }
0xf7: {  	(erf) = vrcp.f32 v4;
	v2 =	vmul.f32 $1.570796370e+00, v2  }
0xf8: {  	v13 =	vadd.f32 $-8.000000000e+00, v9;
	v8 =	vmul.f32 $1.570796370e+00, v8;
	v1 =	vmul.f32 $1.570796370e+00, v1  }
0xf9: {  	(erf) = vrcp.f32 v3;
	v3 =	vadd.f32 $-8.000000000e+00, v6;
	v5 =	vmax.f32 v5, $0.0e+00  }
0xfa: {  	v2 =	vmax.f32 v2, $0.0e+00;
	(erf) = vrcp.f32 v7;
	v5 =	vmin.f32 v5, $3.141592740e+00  }
0xfb: {  	s24 =	simm.s32 $0x1BAF0;
	v16 =	vld [tilespmem:s22+$0xFFFFFFF0];
	v8 =	vmax.f32 v8, $0.0e+00;
	v1 =	vmax.f32 v1, $0.0e+00;
	v4 =	vadd.f32 $-1.570796370e+00, v5  }
0xfc: {  	v33 =	vld [tilespmem:s24+$0xFFFFFFE0];
	v3 =	vmul.f32 $1.570796370e+00, v3;
	v2 =	vmin.f32 v2, $3.141592740e+00;
	(erf) = vrcp.f32 v6  }
0xfd: {  	v38 =	vld [tilespmem:s24+$0xFFFFFF90];
	v5 =	vadd.f32 $-8.000000000e+00, v7;
	v7 =	vadd.f32 $-1.570796370e+00, v2;
	v11 =	vmul.f32 v4, v4  }
0xfe: {  	v8 =	vmin.f32 v8, $3.141592740e+00;
	v1 =	vmin.f32 v1, $3.141592740e+00;
	(erf) = vrcp.f32 v9  }
0xff: {  	v3 =	vmax.f32 v3, $0.0e+00;
	v15 =	vmul.f32 v7, v7;
	v10 =	vmul.f32 $7.142681280e-04, v11  }
0x100: {  	(erf) = vrcp.f32 v16;
	v6 =	vmin.f32 v3, $3.141592740e+00;
	v3 =	vadd.f32 $-1.570796370e+00, v1  }
0x101: {  	s23 =	simm.s32 $0x19CF0;
	(erf) = vrcp.f32 v33;
	v19 =	vmul.f32 $7.142681280e-04, v15;
	v2 =	vsub.f32 $2.999926170e-02, v10  }
0x102: {  	v12 =	vld [tilespmem:s23+$0xFFFFFF10];
	v41 =	vpop (erf);
	(erf) = vrcp.f32 v38;
	v10 =	vadd.f32 $-1.570796370e+00, v6;
	v6 =	vmul.f32 $1.570796370e+00, v5  }
0x103: {  	v19 =	vsub.f32 $2.999926170e-02, v19;
	v1 =	vmul.f32 v2, v11;
	v2 =	vmul.f32 $1.570796370e+00, v13  }
0x104: {  	v14 =	vld [tilespmem:s23+$0xFFFFFF60];
	v5 =	vmul.f32 v3, v3;
	v9 =	vmul.f32 v10, v10;
	v6 =	vmax.f32 v6, $0.0e+00  }
0x105: {  	v23 =	vld [tilespmem:s23+$0xFFFFFFE0];
	v29 =	vmul.f32 v19, v15;
	v1 =	vadd.f32 $-5.999852420e-01, v1;
	v2 =	vmax.f32 v2, $0.0e+00  }
0x106: {  	v35 =	vld [tilespmem:s23+$0xFFFFFFC0];
	v18 =	vmul.f32 $7.142681280e-04, v5;
	v17 =	vmul.f32 $7.142681280e-04, v9;
	v2 =	vmin.f32 v2, $3.141592740e+00  }
0x107: {  	v13 =	vld [tilespmem:s23+$0xFFFFFF90];
	v29 =	vadd.f32 $-5.999852420e-01, v29;
	v11 =	vmul.f32 v1, v11;
	v20 =	vadd.f32 $-1.570796370e+00, v2  }
0x108: {  	v6 =	vmin.f32 v6, $3.141592740e+00;
	v22 =	vsub.f32 $2.999926170e-02, v17;
	v17 =	vadd.f32 $-1.570796370e+00, v8  }
0x109: {  	v42 =	vld [tilespmem:s24+$0xFFFFFFB0];
	v2 =	vadd.f32 $-8.000000000e+00, v16;
	v15 =	vmul.f32 v29, v15;
	v11 =	vadd.f32 $3.599911450e+00, v11  }
0x10a: {  	v21 =	vld.idx.msk [tilespmem:v12+s5+$0x0], $0xffff;
	v6 =	vadd.f32 $-1.570796370e+00, v6;
	v24 =	vmul.f32 v20, v20;
	v30 =	vmul.f32 v17, v17  }
0x10b: {  	v51 =	vld [tilespmem:s24+$0x0];
	v25 =	vmul.f32 $1.570796370e+00, v2;
	v36 =	vadd.f32 $3.599911450e+00, v15;
	v4 =	vmul.f32 v11, v4  }
0x10c: {  	v48 =	vld [tilespmem:s23+$0xFFFFFFD0];
	v27 =	vsub.f32 $2.999926170e-02, v18;
	v8 =	vmul.f32 $7.142681280e-04, v24;
	v32 =	vmul.f32 $7.142681280e-04, v30  }
0x10d: {  	v26 =	vld.idx.msk [tilespmem:v14+s5+$0x0], $0xffff;
	v28 =	vmul.f32 v6, v6;
	v7 =	vmul.f32 v36, v7;
	v4 =	vsub.f32 $3.599911450e+00, v4  }
0x10e: {  	v19 =	vld [tilespmem:s23+$0xFFFFFF80];
	v25 =	vmax.f32 v25, $0.0e+00;
	v8 =	vsub.f32 $2.999926170e-02, v8;
	v32 =	vsub.f32 $2.999926170e-02, v32  }
0x10f: {  	v13 =	vld.idx.msk [tilespmem:v13+s5+$0x0], $0xffff;
	v62 =	vsub.f32 $3.599911450e+00, v7;
	v7 =	vadd.f32 $-8.000000000e+00, v42;
	v4 =	vmul.f32 v4, v21  }
0x110: {  	v18 =	vld [tilespmem:s23+$0xFFFFFF40];
	v21 =	vmin.f32 v25, $3.141592740e+00;
	v25 =	vmul.f32 v22, v9;
	v8 =	vmul.f32 v8, v24  }
0x111: {  	v1 =	vld [tilespmem:s23+$0xFFFFFF20];
	v32 =	vmul.f32 v32, v30;
	v7 =	vmul.f32 $1.570796370e+00, v7;
	v31 =	vadd.f32 $-1.570796370e+00, v21  }
0x112: {  	v29 =	vld [tilespmem:s24+$0xFFFFFFD0];
	v21 =	vmul.f32 v27, v5;
	v27 =	vmul.f32 $7.142681280e-04, v28;
	v8 =	vadd.f32 $-5.999852420e-01, v8  }
0x113: {  	v2 =	vld [tilespmem:s23+$0xFFFFFF30];
	v26 =	vmul.f32 v62, v26;
	v25 =	vadd.f32 $-5.999852420e-01, v25;
	v32 =	vadd.f32 $-5.999852420e-01, v32  }
0x114: {  	v11 =	vld [tilespmem:s23+$0x0];
	v4 =	vmul.f32 v4, v13;
	v34 =	vmul.f32 v31, v31;
	v27 =	vsub.f32 $2.999926170e-02, v27  }
0x115: {  	v22 =	vld [tilespmem:s23+$0xFFFFFFB0];
	v37 =	vadd.f32 $-5.999852420e-01, v21;
	v8 =	vmul.f32 v8, v24;
	v9 =	vmul.f32 v25, v9  }
0x116: {  	v50 =	vmax.f32 v7, $0.0e+00;
	v24 =	vmul.f32 $7.142681280e-04, v34;
	v21 =	vmul.f32 v27, v28;
	v27 =	vld [tilespmem:s24+$0xFFFFFFA0]  }
0x117: {  	v25 =	vld [tilespmem:s24+$0xFFFFFFC0];
	v5 =	vmul.f32 v37, v5;
	v8 =	vadd.f32 $3.599911450e+00, v8;
	v40 =	vadd.f32 $3.599911450e+00, v9  }
0x118: {  	v39 =	vld.idx.msk [tilespmem:v19+s5+$0x0], $0xffff;
	v13 =	vpop (erf);
	v36 =	vmin.f32 v50, $3.141592740e+00;
	v24 =	vsub.f32 $2.999926170e-02, v24;
	v16 =	vadd.f32 $-5.999852420e-01, v21  }
0x119: {  	v61 =	vld.idx.msk [tilespmem:v18+s5+$0x0], $0xffff;
	v4 =	vmul.f32 v4, v13;
	v55 =	vadd.f32 $3.599911450e+00, v5;
	v5 =	vadd.f32 $-1.570796370e+00, v36  }
0x11a: {  	v43 =	vld.idx.msk [tilespmem:v1+s5+$0x0], $0xffff;
	v8 =	vmul.f32 v8, v20;
	v20 =	vadd.f32 $-8.000000000e+00, v29;
	v40 =	vmul.f32 v40, v10  }
0x11b: {  	v15 =	vld.idx.msk [tilespmem:v2+s5+$0x0], $0xffff;
	v9 =	vmul.f32 v16, v28;
	v28 =	vmul.f32 v32, v30;
	v16 =	vadd.f32 $-8.000000000e+00, v27  }
0x11c: {  	v7 =	vld [tilespmem:s23+$0xFFFFFF50];
	v24 =	vmul.f32 v24, v34;
	v30 =	vadd.f32 $-8.000000000e+00, v25;
	v47 =	vmul.f32 v55, v3  }
0x11d: {  	[tilespmem:v12+s17+$0x0] =	vst.idx.add.f32.msk $0xffff, v4;
	v8 =	vsub.f32 $3.599911450e+00, v8;
	v13 =	vmul.f32 $1.570796370e+00, v16;
	v16 =	vadd.f32 $-8.000000000e+00, v33  }
0x11e: {  	v21 =	vld [tilespmem:s23+$0xFFFFFF70];
	(erf) = vrcp.f32 v27;
	v20 =	vmul.f32 $1.570796370e+00, v20;
	v9 =	vadd.f32 $3.599911450e+00, v9  }
0x11f: {  	v4 =	vadd.f32 $-5.999852420e-01, v24;
	v24 =	vld.idx.msk [tilespmem:v11+s5+$0x0], $0xffff;
	v11 =	vadd.f32 $-8.000000000e+00, v38;
	v16 =	vmul.f32 $1.570796370e+00, v16  }
0x120: {  	v37 =	vld.idx.msk [tilespmem:v22+s5+$0x0], $0xffff;
	(erf) = vrcp.f32 v29;
	v63 =	vmul.f32 v9, v6;
	v12 =	vmax.f32 v13, $0.0e+00  }
0x121: {  	v6 =	vld.idx.msk [tilespmem:v23+s5+$0x0], $0xffff;
	v11 =	vmul.f32 $1.570796370e+00, v11;
	v23 =	vmin.f32 v12, $3.141592740e+00;
	v12 =	vmax.f32 v16, $0.0e+00  }
0x122: {  	s22 =	simm.s32 $0x19DF0;
	v27 =	vld [tilespmem:s23+$0xFFFFFFA0];
	v56 =	vmul.f32 $1.570796370e+00, v30;
	(erf) = vrcp.f32 v25;
	v12 =	vmin.f32 v12, $3.141592740e+00  }
0x123: {  	v3 =	vld [tilespmem:s22+$0xFFFFFF60];
	v20 =	vmax.f32 v20, $0.0e+00;
	v13 =	vadd.f32 $-1.570796370e+00, v12;
	v12 =	vmax.f32 v11, $0.0e+00  }
0x124: {  	v49 =	vld.idx.msk [tilespmem:v7+s5+$0x0], $0xffff;
	v34 =	vmul.f32 v4, v34;
	v46 =	vmin.f32 v20, $3.141592740e+00;
	v9 =	vpop (erf);
	v52 =	vmin.f32 v12, $3.141592740e+00  }
0x125: {  	v29 =	vld.idx.msk [tilespmem:v35+s5+$0x0], $0xffff;
	v20 =	vadd.f32 $-8.000000000e+00, v51;
	v4 =	vpop (erf);
	(erf) = vrcp.f32 v42;
	v42 =	vadd.f32 $-1.570796370e+00, v52  }
0x126: {  	v30 =	vmul.f32 v5, v5;
	v8 =	vmul.f32 v8, v39;
	v25 =	vld.idx.msk [tilespmem:v21+s5+$0x0], $0xffff  }
0x127: {  	v60 =	vadd.f32 $3.599911450e+00, v28;
	v58 =	vmul.f32 $1.570796370e+00, v20;
	v20 =	vld [tilespmem:s22+$0xFFFFFF20];
	v54 =	vmul.f32 v42, v42  }
0x128: {  	v36 =	vmax.f32 v56, $0.0e+00;
	v50 =	vmul.f32 $7.142681280e-04, v30;
	v34 =	vadd.f32 $3.599911450e+00, v34;
	v16 =	vld [tilespmem:s23+$0xFFFFFFF0]  }
0x129: {  	v35 =	vsub.f32 $3.599911450e+00, v63;
	v24 =	vmul.f32 v8, v24;
	v8 =	vld [tilespmem:s22+$0xFFFFFF10];
	v38 =	vpop (erf);
	v45 =	vmul.f32 $7.142681280e-04, v54  }
0x12a: {  	v31 =	vmul.f32 v34, v31;
	v11 =	vpop (erf);
	v26 =	vmul.f32 v26, v6;
	v6 =	vadd.f32 $-1.570796370e+00, v23;
	v23 =	vld.idx.msk [tilespmem:v27+s5+$0x0], $0xffff  }
0x12b: {  	(erf) = vrcp.f32 v51;
	v22 =	vmul.f32 v35, v61;
	v27 =	vld [tilespmem:s24+$0xFFFFFFF0];
	v53 =	vpop (erf);
	v57 =	vsub.f32 $2.999926170e-02, v45  }
0x12c: {  	v61 =	vsub.f32 $3.599911450e+00, v47;
	v47 =	vmul.f32 v60, v17;
	v12 =	vld [tilespmem:s22+$0x0];
	v24 =	vmul.f32 v24, v53  }
0x12d: {  	v59 =	vmax.f32 v58, $0.0e+00;
	v22 =	vmul.f32 v22, v29;
	v29 =	vld.idx.msk [tilespmem:v3+s5+$0x0], $0xffff;
	v39 =	vmul.f32 v57, v54  }
0x12e: {  	v51 =	vmin.f32 v59, $3.141592740e+00;
	v31 =	vsub.f32 $3.599911450e+00, v31;
	v32 =	vmul.f32 v61, v43;
	[tilespmem:v19+s17+$0x0] =	vst.idx.add.f32.msk $0xffff, v24  }
0x12f: {  	v61 =	vsub.f32 $3.599911450e+00, v40;
	v33 =	vmul.f32 v13, v13;
	v19 =	vld [tilespmem:s22+$0xFFFFFF90];
	v28 =	vadd.f32 $-5.999852420e-01, v39  }
0x130: {  	v26 =	vmul.f32 v26, v41;
	v53 =	vsub.f32 $3.599911450e+00, v47;
	v62 =	vmul.f32 v31, v25;
	v44 =	vld.idx.msk [tilespmem:v16+s5+$0x0], $0xffff  }
0x131: {  	v41 =	vld.idx.msk [tilespmem:v48+s5+$0x0], $0xffff;
	v25 =	vmin.f32 v36, $3.141592740e+00;
	v31 =	vadd.f32 $-8.000000000e+00, v27;
	v34 =	vmul.f32 v28, v54  }
0x132: {  	v36 =	vadd.f32 $-1.570796370e+00, v51;
	v52 =	vmul.f32 v22, v38;
	[tilespmem:v14+s17+$0x0] =	vst.idx.add.f32.msk $0xffff, v26;
	v16 =	vmul.f32 v6, v6  }
0x133: {  	v48 =	vmul.f32 v61, v15;
	v56 =	vmul.f32 $1.570796370e+00, v31;
	v31 =	vld [tilespmem:s22+$0xFFFFFF30];
	v14 =	vadd.f32 $3.599911450e+00, v34  }
0x134: {  	v25 =	vadd.f32 $-1.570796370e+00, v25;
	v17 =	vmul.f32 $7.142681280e-04, v33;
	[tilespmem:v18+s17+$0x0] =	vst.idx.add.f32.msk $0xffff, v52;
	v24 =	vmul.f32 $7.142681280e-04, v16  }
0x135: {  	v26 =	vsub.f32 $2.999926170e-02, v50;
	v63 =	vld.idx.msk [tilespmem:v8+s5+$0x0], $0xffff;
	v45 =	vmul.f32 v32, v23;
	v35 =	vmul.f32 v62, v44  }
0x136: {  	v23 =	vpop (erf);
	v44 =	vmul.f32 v36, v36;
	v62 =	vsub.f32 $2.999926170e-02, v24;
	v24 =	vld [tilespmem:s22+$0xFFFFFFB0];
	v10 =	vmul.f32 v14, v42  }
0x137: {  	v40 =	vmul.f32 v25, v25;
	v57 =	vsub.f32 $2.999926170e-02, v17;
	v17 =	vadd.f32 $-1.570796370e+00, v46;
	v39 =	vld.idx.msk [tilespmem:v19+s5+$0x0], $0xffff;
	v14 =	vpop (erf)  }
0x138: {  	v19 =	vld [tilespmem:s22+$0xFFFFFF80];
	v60 =	vmul.f32 $7.142681280e-04, v44;
	v35 =	vmul.f32 v35, v23;
	v58 =	vsub.f32 $3.599911450e+00, v10;
	v23 =	vpop (erf)  }
0x139: {  	v26 =	vmul.f32 v26, v30;
	v59 =	vmax.f32 v56, $0.0e+00;
	v38 =	vmul.f32 v17, v17;
	v28 =	vld [tilespmem:s22+$0xFFFFFFE0];
	v22 =	vpop (erf)  }
0x13a: {  	[tilespmem:v21+s17+$0x0] =	vst.idx.add.f32.msk $0xffff, v35;
	v42 =	vmul.f32 v57, v33;
	v43 =	vmul.f32 v58, v63;
	v63 =	vsub.f32 $2.999926170e-02, v60;
	v21 =	vpop (erf)  }
0x13b: {  	s25 =	simm.s32 $0x1BB70;
	v49 =	vmul.f32 v53, v49;
	v47 =	vmul.f32 $7.142681280e-04, v40;
	v54 =	vmin.f32 v59, $3.141592740e+00;
	v18 =	vld.idx.msk [tilespmem:v31+s5+$0x0], $0xffff;
	v15 =	vpop (erf)  }
0x13c: {  	s23 =	simm.s32 $0x19DF0;
	v51 =	vmul.f32 $7.142681280e-04, v38;
	v10 =	vld [tilespmem:s22+$0xFFFFFF40];
	v50 =	vadd.f32 $-5.999852420e-01, v42;
	v52 =	vmul.f32 v63, v44;
	v32 =	vpop (erf)  }
0x13d: {  	s24 =	simm.s32 $0x80;
	v46 =	vmul.f32 v62, v16;
	v35 =	vadd.f32 $-5.999852420e-01, v26;
	v34 =	vadd.f32 $-1.570796370e+00, v54;
	v42 =	vld [tilespmem:s22+$0xFFFFFFC0];
	v26 =	vpop (erf)  }
.LBB2_8:
0x13e: {  	v53 =	vld [tilespmem:s25+$0xFFFFFFE0];
	s24 =	sadd.s32 $0x80, s24;
	v33 =	vmul.f32 v50, v33;
	v50 =	vadd.f32 $-5.999852420e-01, v52;
	s22 =	sadd.s32 $0x100, s22;
	v37 =	vmul.f32 v48, v37  }
0x13f: {  	v47 =	vsub.f32 $2.999926170e-02, v47;
	v48 =	vld [tilespmem:s25+$0xFFFFFFC0];
	p1 =	slt.u32 s24, $0x980;
	v51 =	vsub.f32 $2.999926170e-02, v51;
	v52 =	vmul.f32 v34, v34  }
0x140: {  	v41 =	vmul.f32 v49, v41;
	v54 =	vld [tilespmem:s25+$0xFFFFFFD0];
	v33 =	vadd.f32 $3.599911450e+00, v33;
	v44 =	vmul.f32 v50, v44  }
0x141: {  	v46 =	vadd.f32 $-5.999852420e-01, v46;
	v45 =	vmul.f32 v45, v9;
	v9 =	vmovc v22;
	v49 =	vmul.f32 $7.142681280e-04, v52;
	v50 =	vld.idx.msk [tilespmem:v19+s5+$0x0], $0xffff  }
0x142: {  	v47 =	vmul.f32 v47, v40;
	v37 =	vmul.f32 v37, v11;
	v11 =	vmovc v32;
	v22 =	vld [tilespmem:s25+$0xFFFFFF90];
	v44 =	vadd.f32 $3.599911450e+00, v44  }
0x143: {  	v51 =	vmul.f32 v51, v38;
	v32 =	vld [tilespmem:s25+$0xFFFFFFA0];
	v49 =	vsub.f32 $2.999926170e-02, v49;
	(erf) = vrcp.f32 v27  }
0x144: {  	v27 =	vmul.f32 v35, v30;
	v30 =	vadd.f32 $-5.999852420e-01, v47;
	v36 =	vmul.f32 v44, v36;
	[tilespmem:v1+s17+$0x0] =	vst.idx.add.f32.msk $0xffff, v45  }
0x145: {  	v45 =	vadd.f32 $-5.999852420e-01, v51;
	v1 =	vmovc v20;
	v44 =	vadd.f32 $-8.000000000e+00, v54;
	(erf) = vrcp.f32 v53;
	[tilespmem:v2+s17+$0x0] =	vst.idx.add.f32.msk $0xffff, v37;
	v2 =	vmovc v31  }
0x146: {  	v37 =	vmul.f32 v43, v39;
	v31 =	vadd.f32 $3.599911450e+00, v27;
	v27 =	vmul.f32 v41, v4;
	v4 =	vmovc v21;
	v20 =	vld [tilespmem:s25+$0xFFFFFFB0]  }
0x147: {  	v21 =	vmul.f32 v30, v40;
	v30 =	vsub.f32 $3.599911450e+00, v36;
	(erf) = vrcp.f32 v22;
	v35 =	vld [tilespmem:s23+$0xFFFFFF70]  }
0x148: {  	v13 =	vmul.f32 v33, v13;
	v36 =	vadd.f32 $-8.000000000e+00, v32;
	(erf) = vrcp.f32 v32;
	[tilespmem:v7+s17+$0x0] =	vst.idx.add.f32.msk $0xffff, v27  }
0x149: {  	v21 =	vadd.f32 $3.599911450e+00, v21;
	v7 =	vmul.f32 v37, v23;
	v37 =	vmul.f32 v45, v38;
	v27 =	vld [tilespmem:s23+$0xFFFFFFA0]  }
0x14a: {  	v33 =	vmul.f32 v49, v52;
	v32 =	vadd.f32 $-8.000000000e+00, v53;
	v23 =	vmul.f32 $1.570796370e+00, v36;
	v36 =	vld.idx.msk [tilespmem:v10+s5+$0x0], $0xffff  }
0x14b: {  	v39 =	vadd.f32 $-8.000000000e+00, v48;
	v41 =	vsub.f32 $3.599911450e+00, v13;
	(erf) = vrcp.f32 v54;
	v40 =	vld.idx.msk [tilespmem:v42+s5+$0x0], $0xffff  }
0x14c: {  	v32 =	vmul.f32 $1.570796370e+00, v32;
	v13 =	vadd.f32 $-8.000000000e+00, v20;
	[tilespmem:v8+s17+$0x0] =	vst.idx.add.f32.msk $0xffff, v7;
	v7 =	vadd.f32 $-5.999852420e-01, v33;
	v38 =	vpop (erf)  }
0x14d: {  	v30 =	vmul.f32 v30, v50;
	v8 =	vmax.f32 v23, $0.0e+00;
	v33 =	vmul.f32 $1.570796370e+00, v44;
	v42 =	vld.idx.msk [tilespmem:v12+s5+$0x0], $0xffff  }
0x14e: {  	v25 =	vmul.f32 v21, v25;
	v12 =	vadd.f32 $-8.000000000e+00, v22;
	v13 =	vmul.f32 $1.570796370e+00, v13;
	v43 =	vpop (erf);
	v28 =	vld.idx.msk [tilespmem:v28+s5+$0x0], $0xffff  }
0x14f: {  	v44 =	vmin.f32 v8, $3.141592740e+00;
	v8 =	vmax.f32 v32, $0.0e+00;
	(erf) = vrcp.f32 v48;
	v32 =	vld [tilespmem:s23+$0xFFFFFFF0]  }
0x150: {  	v8 =	vmin.f32 v8, $3.141592740e+00;
	v21 =	vmul.f32 v7, v52;
	v12 =	vmul.f32 $1.570796370e+00, v12;
	v23 =	vpop (erf);
	v45 =	vld.idx.msk [tilespmem:v35+s5+$0x0], $0xffff  }
0x151: {  	v47 =	vmax.f32 v13, $0.0e+00;
	v13 =	vadd.f32 $-1.570796370e+00, v8;
	v22 =	vpop (erf);
	(erf) = vrcp.f32 v20;
	v7 =	vld [tilespmem:s23+$0xFFFFFF50]  }
0x152: {  	v16 =	vmul.f32 v46, v16;
	v29 =	vmul.f32 v41, v29;
	v8 =	vmax.f32 v12, $0.0e+00;
	v20 =	vld [tilespmem:s25+$0x0]  }
0x153: {  	v41 =	vadd.f32 $3.599911450e+00, v21;
	v8 =	vmin.f32 v8, $3.141592740e+00;
	v30 =	vmul.f32 v30, v42;
	v12 =	vld [tilespmem:s22+$0x0]  }
0x154: {  	v46 =	vmin.f32 v47, $3.141592740e+00;
	v42 =	vadd.f32 $-1.570796370e+00, v8;
	v28 =	vmul.f32 v29, v28;
	v21 =	vpop (erf);
	v47 =	vld.idx.msk [tilespmem:v1+s5+$0x0], $0xffff  }
0x155: {  	v34 =	vmul.f32 v41, v34;
	v29 =	vmax.f32 v33, $0.0e+00;
	v26 =	vmul.f32 v30, v26;
	v8 =	vld [tilespmem:s22+$0xFFFFFF10]  }
0x156: {  	v44 =	vadd.f32 $-1.570796370e+00, v44;
	v30 =	vadd.f32 $3.599911450e+00, v16;
	v41 =	vmul.f32 v42, v42;
	v48 =	vld.idx.msk [tilespmem:v27+s5+$0x0], $0xffff  }
0x157: {  	v33 =	vmul.f32 v13, v13;
	v34 =	vsub.f32 $3.599911450e+00, v34;
	(erf) = vrcp.f32 v20;
	v49 =	vld.idx.msk [tilespmem:v32+s5+$0x0], $0xffff  }
0x158: {  	v29 =	vmin.f32 v29, $3.141592740e+00;
	v54 =	vmul.f32 $7.142681280e-04, v41;
	v20 =	vadd.f32 $-8.000000000e+00, v20;
	v27 =	vld [tilespmem:s25+$0xFFFFFFF0];
	v50 =	vpop (erf)  }
0x159: {  	v39 =	vmul.f32 $1.570796370e+00, v39;
	v46 =	vadd.f32 $-1.570796370e+00, v46;
	v16 =	vmul.f32 v44, v44;
	v51 =	vld.idx.msk [tilespmem:v7+s5+$0x0], $0xffff  }
0x15a: {  	v52 =	vsub.f32 $2.999926170e-02, v54;
	v53 =	vmul.f32 $1.570796370e+00, v20;
	v54 =	vmul.f32 v30, v6;
	v32 =	vpop (erf);
	v55 =	vld [tilespmem:s23+$0xFFFFFFD0];
	s23 =	smov.u32 s22  }
0x15b: {  	v39 =	vmax.f32 v39, $0.0e+00;
	v25 =	vsub.f32 $3.599911450e+00, v25;
	v30 =	vmul.f32 v46, v46;
	v6 =	vmovc v44;
	v56 =	vld [tilespmem:s22+$0xFFFFFF60]  }
0x15c: {  	v44 =	vmul.f32 v52, v41;
	v52 =	vmax.f32 v53, $0.0e+00;
	v53 =	vadd.f32 $3.599911450e+00, v37;
	v20 =	vld [tilespmem:s22+$0xFFFFFF20]  }
0x15d: {  	v57 =	vmul.f32 $7.142681280e-04, v30;
	v52 =	vmin.f32 v52, $3.141592740e+00;
	v37 =	vld.idx.msk [tilespmem:v24+s5+$0x0], $0xffff;
	v24 =	vmul.f32 v25, v36  }
0x15e: {  	v34 =	vmul.f32 v34, v45;
	v25 =	vadd.f32 $-5.999852420e-01, v44;
	v36 =	vsub.f32 $3.599911450e+00, v54;
	[tilespmem:v19+s17+$0x0] =	vst.idx.add.f32.msk $0xffff, v26  }
0x15f: {  	v45 =	vmul.f32 v28, v14;
	v14 =	vmovc v43;
	v54 =	vmul.f32 $7.142681280e-04, v16;
	v44 =	vadd.f32 $-8.000000000e+00, v27;
	v19 =	vld [tilespmem:s22+$0xFFFFFF90]  }
0x160: {  	v53 =	vmul.f32 v53, v17;
	v41 =	vmul.f32 v25, v41;
	v25 =	vmin.f32 v39, $3.141592740e+00;
	v28 =	vld [tilespmem:s22+$0xFFFFFFE0];
	v26 =	vpop (erf)  }
0x161: {  	v17 =	vmul.f32 $7.142681280e-04, v33;
	v39 =	vmul.f32 v36, v47;
	v25 =	vadd.f32 $-1.570796370e+00, v25;
	[tilespmem:v3+s17+$0x0] =	vst.idx.add.f32.msk $0xffff, v45;
	v3 =	vmovc v56  }
0x162: {  	v47 =	vsub.f32 $2.999926170e-02, v57;
	v24 =	vmul.f32 v24, v40;
	v43 =	vadd.f32 $3.599911450e+00, v41;
	v41 =	vld.idx.msk [tilespmem:v55+s5+$0x0], $0xffff  }
0x163: {  	v40 =	vmul.f32 $1.570796370e+00, v44;
	v36 =	vadd.f32 $-1.570796370e+00, v52;
	v52 =	vmul.f32 v31, v5;
	v5 =	vmovc v46;
	v55 =	vld.idx.msk [tilespmem:v8+s5+$0x0], $0xffff  }
0x164: {  	v34 =	vmul.f32 v34, v49;
	v42 =	vmul.f32 v43, v42;
	v43 =	vsub.f32 $2.999926170e-02, v17;
	v31 =	vld [tilespmem:s22+$0xFFFFFF30]  }
0x165: {  	v44 =	vmul.f32 v36, v36;
	v45 =	vmul.f32 v39, v48;
	v17 =	vadd.f32 $-1.570796370e+00, v29;
	v29 =	vld.idx.msk [tilespmem:v56+s5+$0x0], $0xffff  }
0x166: {  	v57 =	vmul.f32 v24, v15;
	v15 =	vmovc v50;
	v42 =	vsub.f32 $3.599911450e+00, v42;
	v56 =	vmax.f32 v40, $0.0e+00;
	v49 =	vld [tilespmem:s22+$0xFFFFFF40]  }
0x167: {  	v34 =	vmul.f32 v34, v38;
	v46 =	vsub.f32 $3.599911450e+00, v52;
	v24 =	vmul.f32 $7.142681280e-04, v44;
	v39 =	vld.idx.msk [tilespmem:v19+s5+$0x0], $0xffff  }
0x168: {  	v50 =	vsub.f32 $2.999926170e-02, v54;
	v40 =	vmul.f32 v25, v25;
	v52 =	vmul.f32 v43, v33;
	v19 =	vld [tilespmem:s22+$0xFFFFFF80]  }
.Ltmp7:
0x169: {  	v38 =	vmul.f32 v17, v17;
	v54 =	vsub.f32 $2.999926170e-02, v24;
	v43 =	vmul.f32 v42, v55;
	[tilespmem:v35+s17+$0x0] =	vst.idx.add.f32.msk $0xffff, v34;
	(pc) =	sbr.rel @p1 .LBB2_8-.Ltmp7, $4  }
0x16a: {  	v48 =	vmul.f32 v46, v18;
	v18 =	vsub.f32 $3.599911450e+00, v53;
	v34 =	vmul.f32 v47, v30;
	v24 =	vld [tilespmem:s22+$0xFFFFFFB0]  }
0x16b: {  	v46 =	vmul.f32 v50, v16;
	v50 =	vadd.f32 $-5.999852420e-01, v52;
	v47 =	vmul.f32 $7.142681280e-04, v40;
	[tilespmem:v10+s17+$0x0] =	vst.idx.add.f32.msk $0xffff, v57;
	v10 =	vmovc v49  }
0x16c: {  	v53 =	vmin.f32 v56, $3.141592740e+00;
	v52 =	vmul.f32 v54, v44;
	v49 =	vmul.f32 v18, v51;
	v42 =	vld [tilespmem:s22+$0xFFFFFFC0]  }
0x16d: {  	s25 =	sadd.s32 $0x80, s25;
	v35 =	vadd.f32 $-5.999852420e-01, v34;
	v51 =	vmul.f32 $7.142681280e-04, v38;
	v34 =	vadd.f32 $-1.570796370e+00, v53;
	v18 =	vld.idx.msk [tilespmem:v31+s5+$0x0], $0xffff  }
0x16e: {  	_ =	sdelay $0x1  }
0x16f: {  	v37 =	vmul.f32 v48, v37;
	v9 =	vmul.f32 v45, v9  }
0x170: {  	v33 =	vmul.f32 v50, v33;
	v56 =	vmul.f32 v49, v41  }
0x171: {  	v63 =	vadd.f32 $-5.999852420e-01, v52;
	v52 =	vld.idx.msk [tilespmem:v19+s5+$0x0], $0xffff;
	(erf) = vrcp.f32 v27;
	v39 =	vmul.f32 v43, v39  }
0x172: {  	v59 =	vld [tilespmem:s23+$0xFFFFFFA0];
	v60 =	vadd.f32 $-5.999852420e-01, v46;
	v48 =	vmul.f32 v34, v34;
	v30 =	vmul.f32 v35, v30  }
0x173: {  	v61 =	vld.idx.msk [tilespmem:v10+s5+$0x0], $0xffff;
	v55 =	vsub.f32 $2.999926170e-02, v51;
	v11 =	vmul.f32 v37, v11;
	v44 =	vmul.f32 v63, v44  }
0x174: {  	[tilespmem:v1+s17+$0x0] =	vst.idx.add.f32.msk $0xffff, v9;
	v1 =	vsub.f32 $2.999926170e-02, v47;
	v4 =	vmul.f32 v56, v4;
	v16 =	vmul.f32 v60, v16  }
0x175: {  	v12 =	vld.idx.msk [tilespmem:v12+s5+$0x0], $0xffff;
	v54 =	vmul.f32 $7.142681280e-04, v48;
	v9 =	vmul.f32 v55, v38  }
0x176: {  	[tilespmem:v2+s17+$0x0] =	vst.idx.add.f32.msk $0xffff, v11;
	v2 =	vadd.f32 $3.599911450e+00, v33;
	v1 =	vmul.f32 v1, v40;
	v58 =	vadd.f32 $3.599911450e+00, v44  }
0x177: {  	v50 =	vld [tilespmem:s23+$0xFFFFFFD0];
	v23 =	vmul.f32 v39, v23;
	v16 =	vadd.f32 $3.599911450e+00, v16;
	v57 =	vsub.f32 $2.999926170e-02, v54  }
0x178: {  	v47 =	vld [tilespmem:s23+$0xFFFFFF50];
	v9 =	vadd.f32 $-5.999852420e-01, v9;
	v1 =	vadd.f32 $-5.999852420e-01, v1;
	v62 =	vmul.f32 v58, v36  }
0x179: {  	v37 =	vld [tilespmem:s23+$0xFFFFFF70];
	v54 =	vadd.f32 $3.599911450e+00, v30;
	v2 =	vmul.f32 v2, v13;
	v6 =	vmul.f32 v16, v6  }
0x17a: {  	v55 =	vld.idx.msk [tilespmem:v20+s5+$0x0], $0xffff;
	v33 =	vmul.f32 v57, v48;
	v1 =	vmul.f32 v1, v40;
	v49 =	vsub.f32 $3.599911450e+00, v62  }
0x17b: {  	v63 =	vld [tilespmem:s23+$0xFFFFFFF0];
	v9 =	vmul.f32 v9, v38;
	v2 =	vsub.f32 $3.599911450e+00, v2;
	v6 =	vsub.f32 $3.599911450e+00, v6  }
0x17c: {  	v28 =	vld.idx.msk [tilespmem:v28+s5+$0x0], $0xffff;
	v5 =	vmul.f32 v54, v5;
	v46 =	vadd.f32 $-5.999852420e-01, v33;
	v1 =	vadd.f32 $3.599911450e+00, v1  }
0x17d: {  	v24 =	vld.idx.msk [tilespmem:v24+s5+$0x0], $0xffff;
	v9 =	vadd.f32 $3.599911450e+00, v9;
	v33 =	vmul.f32 v49, v52;
	v2 =	vmul.f32 v2, v29  }
0x17e: {  	v57 =	vld.idx.msk [tilespmem:v59+s5+$0x0], $0xffff;
	v5 =	vsub.f32 $3.599911450e+00, v5;
	v11 =	vmul.f32 v46, v48;
	v1 =	vmul.f32 v1, v25  }
0x17f: {  	v51 =	vld.idx.msk [tilespmem:v42+s5+$0x0], $0xffff;
	v6 =	vmul.f32 v6, v55;
	v9 =	vmul.f32 v9, v17  }
0x180: {  	v58 =	vld.idx.msk [tilespmem:v47+s5+$0x0], $0xffff;
	v5 =	vmul.f32 v5, v18;
	v11 =	vadd.f32 $3.599911450e+00, v11;
	v1 =	vsub.f32 $3.599911450e+00, v1  }
0x181: {  	v53 =	vld.idx.msk [tilespmem:v37+s5+$0x0], $0xffff;
	v12 =	vmul.f32 v33, v12;
	v2 =	vmul.f32 v2, v28  }
0x182: {  	v59 =	vld.idx.msk [tilespmem:v50+s5+$0x0], $0xffff;
	v11 =	vmul.f32 v11, v34;
	v1 =	vmul.f32 v1, v61  }
0x183: {  	v56 =	vld.idx.msk [tilespmem:v63+s5+$0x0], $0xffff;
	v6 =	vmul.f32 v6, v57;
	v2 =	vmul.f32 v2, v14;
	v61 =	vsub.f32 $3.599911450e+00, v9  }
0x184: {  	[tilespmem:v7+s17+$0x0] =	vst.idx.add.f32.msk $0xffff, v4;
	v12 =	vmul.f32 v12, v26;
	v11 =	vsub.f32 $3.599911450e+00, v11;
	v1 =	vmul.f32 v1, v51  }
0x185: {  	[tilespmem:v3+s17+$0x0] =	vst.idx.add.f32.msk $0xffff, v2;
	v2 =	vmul.f32 v5, v24;
	v7 =	vmul.f32 v61, v58  }
0x186: {  	[tilespmem:v8+s17+$0x0] =	vst.idx.add.f32.msk $0xffff, v23;
	v11 =	vmul.f32 v11, v53;
	v1 =	vmul.f32 v1, v15  }
0x187: {  	v63 =	vmul.f32 v6, v22;
	[tilespmem:v19+s17+$0x0] =	vst.idx.add.f32.msk $0xffff, v12;
	v3 =	vmul.f32 v7, v59  }
.Ltmp8:
0x188: {  	v60 =	vmul.f32 v11, v56;
	[tilespmem:v10+s17+$0x0] =	vst.idx.add.f32.msk $0xffff, v1;
	v1 =	vmul.f32 v2, v32;
	(pc) =	sbr.rel .LBB2_10-.Ltmp8, $4  }
0x189: {  	v62 =	vpop (erf);
	[tilespmem:v20+s17+$0x0] =	vst.idx.add.f32.msk $0xffff, v63;
	v2 =	vmul.f32 v3, v21  }
0x18a: {  	v4 =	vmul.f32 v60, v62;
	[tilespmem:v31+s17+$0x0] =	vst.idx.add.f32.msk $0xffff, v1  }
0x18b: {  	[tilespmem:v47+s17+$0x0] =	vst.idx.add.f32.msk $0xffff, v2  }
0x18c: {  	[tilespmem:v37+s17+$0x0] =	vst.idx.add.f32.msk $0xffff, v4  }
.LBB2_12:
0x18d: {  	_ =	sfence.sel $0x180000  }
0x18e: {  	[bflag:$0x0] =	sbarrier.arrive $0xFFFF  }
0x18f: {  	_ =	strace $0x90000047  }
0x190: {  	s0 =	sadd.s32 @!p0 $0x100000, s3;
	[bflag:$0x2] =	sbarrier.arrive $0xFFFF  }
0x191: {  	[sflag:s0] =	ssyncadd.tile.s32 @!p0 $0x1;
	_ =	shalt  }
.Lfunc_end2:
_tile_overlayer_lowered:
.L_overlay_start_2:
0x192: {  	(tag) =	ssettag $0x2  }
0x193: {  	s0 =	rddreg [dreg:$0x0];
	s2 =	stileid.u32  }
0x194: {  	s1 =	rddreg [dreg:$0x1];
	p0 =	sne.s32 s2, $0x0  }
0x195: {  	s3 =	rddreg [dreg:$0x2];
	[bflag:$0x3] =	sbarrier.arrive $0xFFFF;
	s2 =	simm.s32 @!p0 $0x1C04  }
0x196: {  	[timem:s3], [sflag:s2] =	dma.local @!p0 [hbm:s0], s1  }
0x197: {  	s0 =	simm.s32 @!p0 $0x4  }
0x198: {  	_ =	swait.ge @!p0 [sflag:s0], s1  }
0x199: {  	s1 =	ssub.s32 @!p0 $0x0, s1;
	[sflag:s0] =	ssyncset.done @!p0 $0x0  }
0x19a: {  	[sflag:s0] =	ssyncadd.s32 @!p0 s1  }
0x19b: {  	[bflag:$0x3] =	sbarrier.arrive $0xFFFF  }
0x19c: {  	_ =	shalt  }

</sc_bundles>
